<compile_context>
chip_gen: v7x
topology: tpu7x:2x2x1
jax: 0.10.2.dev20260603
libtpu: 0.0.44.dev20260713+nightly
codegen_flags: <defaults>
</compile_context>

<pallas_src>
import functools
import math

import jax
import jax.numpy as jnp
from jax import lax
from jax.experimental import pallas as pl
from jax.experimental.pallas import tpu as pltpu
from jax.experimental.pallas import tpu_sc as plsc

N = 10000
E = 320000
D_NODE = 128
D_EDGE = 16
HID = 64
OUT = 128
_LOG2 = math.log(2.0)


def _ssp(x):
    return jnp.maximum(x, 0.0) + jnp.log1p(jnp.exp(-jnp.abs(x))) - _LOG2



def _hv_body(x_ref, w_ref, b_ref, o_ref):
    hv = (
        jnp.dot(x_ref[...], w_ref[...], preferred_element_type=jnp.float32)
        + b_ref[...]
    )
    o_ref[...] = jnp.concatenate([hv, jnp.zeros_like(hv)], axis=1)


def _he_body(ef_ref, w1_ref, b1_ref, w2_ref, b2_ref, o_ref):
    h = jnp.dot(ef_ref[...], w1_ref[...], preferred_element_type=jnp.float32)
    h = _ssp(h + b1_ref[...])
    h = jnp.dot(h, w2_ref[...], preferred_element_type=jnp.float32)
    o_ref[...] = _ssp(h + b2_ref[...])


def _out_body(p_ref, w_ref, b_ref, o_ref):
    agg = p_ref[0, :, :HID] + p_ref[1, :, :HID]
    h = jnp.dot(agg, w_ref[...], preferred_element_type=jnp.float32)
    o_ref[...] = _ssp(h + b_ref[...])


_hv_call = pl.pallas_call(
    _hv_body,
    out_shape=jax.ShapeDtypeStruct((N, 2 * HID), jnp.float32),
)

_E_BLK = 8000
_he_call = pl.pallas_call(
    _he_body,
    grid=(E // _E_BLK,),
    in_specs=[
        pl.BlockSpec((_E_BLK, D_EDGE), lambda i: (i, 0)),
        pl.BlockSpec((D_EDGE, HID), lambda i: (0, 0)),
        pl.BlockSpec((1, HID), lambda i: (0, 0)),
        pl.BlockSpec((HID, HID), lambda i: (0, 0)),
        pl.BlockSpec((1, HID), lambda i: (0, 0)),
    ],
    out_specs=pl.BlockSpec((_E_BLK, HID), lambda i: (i, 0)),
    out_shape=jax.ShapeDtypeStruct((E, HID), jnp.float32),
)

_out_call = pl.pallas_call(
    _out_body,
    out_shape=jax.ShapeDtypeStruct((N, OUT), jnp.float32),
)



_info = plsc.get_sparse_core_info()
_NC = _info.num_cores
_NS = _info.num_subcores
_L = _info.num_lanes
_NW = _NC * _NS
_EPW = E // _NW
_CH = 80
_NCH = _EPW // _CH
assert _NCH * _CH == _EPW
_NBLK = N // _CH
_BPS = -(-_NBLK // _NS)


def _sc_body(hv_hbm, src_hbm, dst_hbm, he_hbm, out_hbm,
             src_v0, dst_v0, hv_v0, src_v1, dst_v1, hv_v1,
             he_v, m_v, gsem0, gsem1, agg_sh):
    bufs = ((src_v0, dst_v0, hv_v0, gsem0),
            (src_v1, dst_v1, hv_v1, gsem1))
    cid = lax.axis_index("c")
    sid = lax.axis_index("s")
    wid = sid * _NC + cid

    zvec = jnp.zeros((_L,), jnp.float32)

    def zrow(r, _c):
        for k in range(2 * HID // _L):
            m_v[r, pl.ds(k * _L, _L)] = zvec
        return _c

    lax.fori_loop(0, _CH, zrow, 0)

    def init_blk(j, _c):
        b = lax.rem(sid + _NS * j, _NBLK)
        pltpu.sync_copy(m_v, agg_sh.at[pl.ds(b * _CH, _CH)])
        return _c

    lax.fori_loop(0, _BPS, init_blk, 0)
    plsc.subcore_barrier()

    base = wid * _EPW

    def load(i, b):
        src_v, dst_v, hv_v, gsem = bufs[b]
        ebase = base + i * _CH
        pltpu.sync_copy(src_hbm.at[pl.ds(ebase, _CH)], src_v)
        pltpu.sync_copy(dst_hbm.at[pl.ds(ebase, _CH)], dst_v)
        pltpu.async_copy(hv_hbm.at[src_v], hv_v, gsem)

    def compute(i, b):
        src_v, dst_v, hv_v, gsem = bufs[b]
        pltpu.sync_copy(he_hbm.at[pl.ds(base + i * _CH, _CH)], he_v)
        pltpu.make_async_copy(hv_hbm.at[src_v], hv_v, gsem).wait()

        def row(r4, _c):
            for u in range(4):
                r = 4 * r4 + u
                for k in range(HID // _L):
                    s = pl.ds(k * _L, _L)
                    m_v[r, s] = he_v[r, s] * hv_v[r, s]
            return _c

        lax.fori_loop(0, _CH // 4, row, 0)
        pltpu.sync_copy(m_v, agg_sh.at[dst_v], add=True)

    load(0, 0)

    def pair(g, _c):
        i0 = 2 * g
        load(i0 + 1, 1)
        compute(i0, 0)
        load(i0 + 2, 0)
        compute(i0 + 1, 1)
        return _c

    lax.fori_loop(0, (_NCH - 1) // 2, pair, 0)
    compute(_NCH - 1, 0)
    plsc.subcore_barrier()

    def out_blk(j, _c):
        b = lax.rem(sid + _NS * j, _NBLK)
        r0 = b * _CH
        pltpu.sync_copy(agg_sh.at[pl.ds(r0, _CH)], m_v)
        pltpu.sync_copy(m_v, out_hbm.at[cid, pl.ds(r0, _CH)])
        return _c

    lax.fori_loop(0, _BPS, out_blk, 0)


_sc_call = pl.kernel(
    _sc_body,
    out_type=jax.ShapeDtypeStruct((_NC, N, 2 * HID), jnp.float32),
    mesh=plsc.VectorSubcoreMesh(core_axis_name="c", subcore_axis_name="s"),
    scratch_types=[
        pltpu.VMEM((_CH,), jnp.int32),
        pltpu.VMEM((_CH,), jnp.int32),
        pltpu.VMEM((_CH, 2 * HID), jnp.float32),
        pltpu.VMEM((_CH,), jnp.int32),
        pltpu.VMEM((_CH,), jnp.int32),
        pltpu.VMEM((_CH, 2 * HID), jnp.float32),
        pltpu.VMEM((_CH, HID), jnp.float32),
        pltpu.VMEM((_CH, 2 * HID), jnp.float32),
        pltpu.SemaphoreType.DMA,
        pltpu.SemaphoreType.DMA,
        pltpu.VMEM_SHARED((N, 2 * HID), jnp.float32),
    ],
)


def kernel(node_feats, edge_feats, edge_index, W_node, b_node,
           W_e1, b_e1, W_e2, b_e2, W_out, b_out):
    src = edge_index[0]
    dst = edge_index[1]
    hv = _hv_call(node_feats, W_node, b_node.reshape(1, HID))
    he = _he_call(edge_feats, W_e1, b_e1.reshape(1, HID),
                  W_e2, b_e2.reshape(1, HID))
    partials = _sc_call(hv, src, dst, he)
    h_out = _out_call(partials, W_out, b_out.reshape(1, OUT))
    return (h_out, he)

# --- scband reference (transcript-rebuilt; emitter-appended) ---
"""Pipeline reference for scband-cfc-71098888617995 (READ-ONLY COPY).

The authoritative reference and input builder live on the scoring server;
editing this copy changes nothing except your own understanding.
"""

import jax, jax.numpy as jnp
import numpy as np

N = 10000
E = 320000
D_NODE = 128
D_EDGE = 16
HID = 64
OUT = 128


def ssp(x):
    # ShiftedSoftplus: softplus(x) - log(2)
    return jax.nn.softplus(x) - jnp.log(2.0)


def setup_inputs(seed: int = 0) -> dict:
    key = jax.random.key(seed)
    ks = jax.random.split(key, 12)
    node_feats = jax.random.normal(ks[0], (N, D_NODE), dtype=jnp.float32)
    edge_feats = jax.random.normal(ks[1], (E, D_EDGE), dtype=jnp.float32)
    edge_index = jax.random.randint(ks[2], (2, E), 0, N)
    # Parameters of the CFConv layer that is actually executed (layers[1]).
    # CFC.forward skips layers[0] (i == 0 branch does nothing), so only one
    # CFConv is applied; dropout is identity in eval mode.
    s_node = 1.0 / np.sqrt(D_NODE)
    s_e1 = 1.0 / np.sqrt(D_EDGE)
    s_e2 = 1.0 / np.sqrt(HID)
    s_out = 1.0 / np.sqrt(HID)
    W_node = jax.random.uniform(ks[3], (D_NODE, HID), jnp.float32, -s_node, s_node)
    b_node = jax.random.uniform(ks[4], (HID,), jnp.float32, -s_node, s_node)
    W_e1 = jax.random.uniform(ks[5], (D_EDGE, HID), jnp.float32, -s_e1, s_e1)
    b_e1 = jax.random.uniform(ks[6], (HID,), jnp.float32, -s_e1, s_e1)
    W_e2 = jax.random.uniform(ks[7], (HID, HID), jnp.float32, -s_e2, s_e2)
    b_e2 = jax.random.uniform(ks[8], (HID,), jnp.float32, -s_e2, s_e2)
    W_out = jax.random.uniform(ks[9], (HID, OUT), jnp.float32, -s_out, s_out)
    b_out = jax.random.uniform(ks[10], (OUT,), jnp.float32, -s_out, s_out)
    return {
        'node_feats': node_feats,
        'edge_feats': edge_feats,
        'edge_index': edge_index,
        'W_node': W_node, 'b_node': b_node,
        'W_e1': W_e1, 'b_e1': b_e1,
        'W_e2': W_e2, 'b_e2': b_e2,
        'W_out': W_out, 'b_out': b_out,
    }


def reference(node_feats, edge_feats, edge_index, W_node, b_node, W_e1, b_e1, W_e2, b_e2, W_out, b_out):
    # CFC.forward in eval mode: layers[0] is skipped, dropout is identity,
    # so the output is a single CFConv application on (g, node_feats, edge_feats).
    src = edge_index[0]
    dst = edge_index[1]
    # project_node: Linear(node_in, hidden)
    hv = node_feats @ W_node + b_node                      # [N, HID]
    # project_edge: Linear -> SSP -> Linear -> SSP
    he = ssp(edge_feats @ W_e1 + b_e1)                     # [E, HID]
    he = ssp(he @ W_e2 + b_e2)                             # [E, HID]
    # message passing: m_e = hv[src] * he; aggregate sum at dst
    m = jnp.take(hv, src, axis=0) * he                     # [E, HID] gather
    agg = jax.ops.segment_sum(m, dst, num_segments=N)      # [N, HID] scatter-add
    # project_out: Linear -> SSP
    h_out = ssp(agg @ W_out + b_out)                       # [N, OUT]
    return (h_out, he)

if __name__ == "__main__":
    import jax
    _d = setup_inputs()
    print(jax.jit(kernel)(*tuple(_d.values())))

</pallas_src>

<mosaic_0001>
#map = affine_map<(d0, d1) -> (0, 0)>
#map1 = affine_map<(d0, d1) -> (0)>
#map2 = affine_map<(d0, d1) -> (0, 0, 0)>
module attributes {stable_mosaic.version = 14 : i64} {
  func.func @_sc_body(%arg0: i32, %arg1: i32, %arg2: memref<10000x128xf32, #tpu.memory_space<hbm>>, %arg3: memref<320000xi32, #tpu.memory_space<hbm>>, %arg4: memref<320000xi32, #tpu.memory_space<hbm>>, %arg5: memref<320000x64xf32, #tpu.memory_space<hbm>>, %arg6: memref<2x10000x128xf32, #tpu.memory_space<hbm>>, %arg7: memref<80xi32, #tpu.memory_space<vmem>>, %arg8: memref<80xi32, #tpu.memory_space<vmem>>, %arg9: memref<80x128xf32, #tpu.memory_space<vmem>>, %arg10: memref<80xi32, #tpu.memory_space<vmem>>, %arg11: memref<80xi32, #tpu.memory_space<vmem>>, %arg12: memref<80x128xf32, #tpu.memory_space<vmem>>, %arg13: memref<80x64xf32, #tpu.memory_space<vmem>>, %arg14: memref<80x128xf32, #tpu.memory_space<vmem>>, %arg15: memref<!tpu.dma_semaphore, #tpu.memory_space<semaphore_mem>>, %arg16: memref<!tpu.dma_semaphore, #tpu.memory_space<semaphore_mem>>, %arg17: memref<10000x128xf32, #tpu.memory_space<vmem_shared>>) attributes {dimension_semantics = [#tpu.dimension_semantics<core_parallel>, #tpu.dimension_semantics<subcore_parallel>], iteration_bounds = array<i64: 2, 16>, scalar_prefetch = 0 : i64, scratch_operands = 11 : i64, tpu.core_type = #tpu.core_type<sc_vector_subcore>, window_params = [{transform_indices = #map}, {transform_indices = #map1}, {transform_indices = #map1}, {transform_indices = #map}, {transform_indices = #map2}]} {
    %mul3A = arith.constant 2 : i32
    %mul3A_0 = arith.muli %arg1, %mul3A : i32
    %add3A = arith.addi %mul3A_0, %arg0 : i32
    %broadcast_in_dim3A = arith.constant 0.000000e+00 : f32
    %broadcast_in_dim3A_1 = vector.broadcast %broadcast_in_dim3A : f32 to vector<16xf32>
    %scan3A = arith.constant 0 : i32
    %scan3A_2 = arith.constant 0 : i32
    %scan3A_3 = arith.constant 80 : i32
    %scan3A_4 = arith.addi %scan3A_2, %scan3A_3 : i32
    %scan3A_5 = arith.constant 1 : i32
    scf.for %scan3A_42 = %scan3A_2 to %scan3A_4 step %scan3A_5  : i32 {
      %swap3A = arith.index_cast %scan3A_42 : i32 to index
      %swap3A_43 = arith.constant 0 : index
      %swap3A_44 = tpu.vector_load %arg14[%swap3A, %swap3A_43] {strides = array<i32>} : memref<80x128xf32, #tpu.memory_space<vmem>>, vector<1x16xf32>,
      %swap3A_45 = vector.shape_cast %swap3A_44 : vector<1x16xf32> to vector<16xf32>
      %swap3A_46 = vector.shape_cast %broadcast_in_dim3A_1 : vector<16xf32> to vector<1x16xf32>
      tpu.vector_store %arg14[%swap3A, %swap3A_43], %swap3A_46 {strides = array<i32>} : memref<80x128xf32, #tpu.memory_space<vmem>>, vector<1x16xf32>,
      %swap3A_47 = arith.index_cast %scan3A_42 : i32 to index
      %swap3A_48 = arith.constant 16 : index
      %swap3A_49 = tpu.vector_load %arg14[%swap3A_47, %swap3A_48] {strides = array<i32>} : memref<80x128xf32, #tpu.memory_space<vmem>>, vector<1x16xf32>,
      %swap3A_50 = vector.shape_cast %swap3A_49 : vector<1x16xf32> to vector<16xf32>
      %swap3A_51 = vector.shape_cast %broadcast_in_dim3A_1 : vector<16xf32> to vector<1x16xf32>
      tpu.vector_store %arg14[%swap3A_47, %swap3A_48], %swap3A_51 {strides = array<i32>} : memref<80x128xf32, #tpu.memory_space<vmem>>, vector<1x16xf32>,
      %swap3A_52 = arith.index_cast %scan3A_42 : i32 to index
      %swap3A_53 = arith.constant 32 : index
      %swap3A_54 = tpu.vector_load %arg14[%swap3A_52, %swap3A_53] {strides = array<i32>} : memref<80x128xf32, #tpu.memory_space<vmem>>, vector<1x16xf32>,
      %swap3A_55 = vector.shape_cast %swap3A_54 : vector<1x16xf32> to vector<16xf32>
      %swap3A_56 = vector.shape_cast %broadcast_in_dim3A_1 : vector<16xf32> to vector<1x16xf32>
      tpu.vector_store %arg14[%swap3A_52, %swap3A_53], %swap3A_56 {strides = array<i32>} : memref<80x128xf32, #tpu.memory_space<vmem>>, vector<1x16xf32>,
      %swap3A_57 = arith.index_cast %scan3A_42 : i32 to index
      %swap3A_58 = arith.constant 48 : index
      %swap3A_59 = tpu.vector_load %arg14[%swap3A_57, %swap3A_58] {strides = array<i32>} : memref<80x128xf32, #tpu.memory_space<vmem>>, vector<1x16xf32>,
      %swap3A_60 = vector.shape_cast %swap3A_59 : vector<1x16xf32> to vector<16xf32>
      %swap3A_61 = vector.shape_cast %broadcast_in_dim3A_1 : vector<16xf32> to vector<1x16xf32>
      tpu.vector_store %arg14[%swap3A_57, %swap3A_58], %swap3A_61 {strides = array<i32>} : memref<80x128xf32, #tpu.memory_space<vmem>>, vector<1x16xf32>,
      %swap3A_62 = arith.index_cast %scan3A_42 : i32 to index
      %swap3A_63 = arith.constant 64 : index
      %swap3A_64 = tpu.vector_load %arg14[%swap3A_62, %swap3A_63] {strides = array<i32>} : memref<80x128xf32, #tpu.memory_space<vmem>>, vector<1x16xf32>,
      %swap3A_65 = vector.shape_cast %swap3A_64 : vector<1x16xf32> to vector<16xf32>
      %swap3A_66 = vector.shape_cast %broadcast_in_dim3A_1 : vector<16xf32> to vector<1x16xf32>
      tpu.vector_store %arg14[%swap3A_62, %swap3A_63], %swap3A_66 {strides = array<i32>} : memref<80x128xf32, #tpu.memory_space<vmem>>, vector<1x16xf32>,
      %swap3A_67 = arith.index_cast %scan3A_42 : i32 to index
      %swap3A_68 = arith.constant 80 : index
      %swap3A_69 = tpu.vector_load %arg14[%swap3A_67, %swap3A_68] {strides = array<i32>} : memref<80x128xf32, #tpu.memory_space<vmem>>, vector<1x16xf32>,
      %swap3A_70 = vector.shape_cast %swap3A_69 : vector<1x16xf32> to vector<16xf32>
      %swap3A_71 = vector.shape_cast %broadcast_in_dim3A_1 : vector<16xf32> to vector<1x16xf32>
      tpu.vector_store %arg14[%swap3A_67, %swap3A_68], %swap3A_71 {strides = array<i32>} : memref<80x128xf32, #tpu.memory_space<vmem>>, vector<1x16xf32>,
      %swap3A_72 = arith.index_cast %scan3A_42 : i32 to index
      %swap3A_73 = arith.constant 96 : index
      %swap3A_74 = tpu.vector_load %arg14[%swap3A_72, %swap3A_73] {strides = array<i32>} : memref<80x128xf32, #tpu.memory_space<vmem>>, vector<1x16xf32>,
      %swap3A_75 = vector.shape_cast %swap3A_74 : vector<1x16xf32> to vector<16xf32>
      %swap3A_76 = vector.shape_cast %broadcast_in_dim3A_1 : vector<16xf32> to vector<1x16xf32>
      tpu.vector_store %arg14[%swap3A_72, %swap3A_73], %swap3A_76 {strides = array<i32>} : memref<80x128xf32, #tpu.memory_space<vmem>>, vector<1x16xf32>,
      %swap3A_77 = arith.index_cast %scan3A_42 : i32 to index
      %swap3A_78 = arith.constant 112 : index
      %swap3A_79 = tpu.vector_load %arg14[%swap3A_77, %swap3A_78] {strides = array<i32>} : memref<80x128xf32, #tpu.memory_space<vmem>>, vector<1x16xf32>,
      %swap3A_80 = vector.shape_cast %swap3A_79 : vector<1x16xf32> to vector<16xf32>
      %swap3A_81 = vector.shape_cast %broadcast_in_dim3A_1 : vector<16xf32> to vector<1x16xf32>
      tpu.vector_store %arg14[%swap3A_77, %swap3A_78], %swap3A_81 {strides = array<i32>} : memref<80x128xf32, #tpu.memory_space<vmem>>, vector<1x16xf32>,
    }
    %scan3A_6 = arith.constant 80 : i32
    %scan3A_7 = arith.constant 0 : i32
    %scan3A_8 = arith.constant 0 : i32
    %scan3A_9 = arith.constant 8 : i32
    %scan3A_10 = arith.addi %scan3A_8, %scan3A_9 : i32
    %scan3A_11 = arith.constant 1 : i32
    scf.for %scan3A_42 = %scan3A_8 to %scan3A_10 step %scan3A_11  : i32 {
      %mul3A_43 = arith.constant 16 : i32
      %mul3A_44 = arith.muli %mul3A_43, %scan3A_42 : i32
      %add3A_45 = arith.addi %arg1, %mul3A_44 : i32
      %rem3A = arith.constant 125 : i32
      %rem3A_46 = arith.remsi %add3A_45, %rem3A : i32
      %mul3A_47 = arith.constant 80 : i32
      %mul3A_48 = arith.muli %rem3A_46, %mul3A_47 : i32
      "tpu.region"() ({
        %run_scoped3A = tpu.sem_alloc : memref<!tpu.dma_semaphore, #tpu.memory_space<semaphore_mem>>
        %dma_start3A_49 = arith.constant 0 : i32
        %dma_start3A_50 = tpu.memref_slice %arg17[%mul3A_48, %dma_start3A_49] : memref<10000x128xf32, #tpu.memory_space<vmem_shared>> -> memref<80x128xf32, #tpu.memory_space<vmem_shared>>
        %dma_start3A_51 = arith.constant 0 : i32
        %dma_start3A_52 = tpu.memref_slice %arg17[%mul3A_48, %dma_start3A_51] : memref<10000x128xf32, #tpu.memory_space<vmem_shared>> -> memref<80x128xf32, #tpu.memory_space<vmem_shared>>
        tpu.enqueue_dma source(%arg14 : memref<80x128xf32, #tpu.memory_space<vmem>>) target(%dma_start3A_52 : memref<80x128xf32, #tpu.memory_space<vmem_shared>>) target_semaphore(%run_scoped3A : memref<!tpu.dma_semaphore, #tpu.memory_space<semaphore_mem>>)
        %dma_wait3A_53 = arith.constant 0 : i32
        %dma_wait3A_54 = tpu.memref_slice %arg17[%mul3A_48, %dma_wait3A_53] : memref<10000x128xf32, #tpu.memory_space<vmem_shared>> -> memref<80x128xf32, #tpu.memory_space<vmem_shared>>
        %dma_wait3A_55 = arith.constant 0 : i32
        %dma_wait3A_56 = tpu.memref_slice %arg17[%mul3A_48, %dma_wait3A_55] : memref<10000x128xf32, #tpu.memory_space<vmem_shared>> -> memref<80x128xf32, #tpu.memory_space<vmem_shared>>
        tpu.wait_dma2 semaphore(%run_scoped3A : memref<!tpu.dma_semaphore, #tpu.memory_space<semaphore_mem>>) src(%arg14 : memref<80x128xf32, #tpu.memory_space<vmem>>) dst(%dma_wait3A_56 : memref<80x128xf32, #tpu.memory_space<vmem_shared>>)
        tpu.yield
      }) : () -> ()
    }
    %scan3A_12 = arith.constant 8 : i32
    %barrier3A = arith.constant 0 : index
    tpu.barrier barrier_id(%barrier3A)
    %mul3A_13 = arith.constant 10000 : i32
    %mul3A_14 = arith.muli %add3A, %mul3A_13 : i32
    %add3A_15 = arith.constant 0 : i32
    %add3A_16 = arith.addi %mul3A_14, %add3A_15 : i32
    "tpu.region"() ({
      %run_scoped3A = tpu.sem_alloc : memref<!tpu.dma_semaphore, #tpu.memory_space<semaphore_mem>>
      %dma_start3A_42 = tpu.memref_slice %arg3[%add3A_16] : memref<320000xi32, #tpu.memory_space<hbm>> -> memref<80xi32, #tpu.memory_space<hbm>>
      %dma_start3A_43 = tpu.memref_slice %arg3[%add3A_16] : memref<320000xi32, #tpu.memory_space<hbm>> -> memref<80xi32, #tpu.memory_space<hbm>>
      tpu.enqueue_dma source(%dma_start3A_43 : memref<80xi32, #tpu.memory_space<hbm>>) target(%arg7 : memref<80xi32, #tpu.memory_space<vmem>>) target_semaphore(%run_scoped3A : memref<!tpu.dma_semaphore, #tpu.memory_space<semaphore_mem>>)
      %dma_wait3A_44 = tpu.memref_slice %arg3[%add3A_16] : memref<320000xi32, #tpu.memory_space<hbm>> -> memref<80xi32, #tpu.memory_space<hbm>>
      %dma_wait3A_45 = tpu.memref_slice %arg3[%add3A_16] : memref<320000xi32, #tpu.memory_space<hbm>> -> memref<80xi32, #tpu.memory_space<hbm>>
      tpu.wait_dma2 semaphore(%run_scoped3A : memref<!tpu.dma_semaphore, #tpu.memory_space<semaphore_mem>>) src(%dma_wait3A_45 : memref<80xi32, #tpu.memory_space<hbm>>) dst(%arg7 : memref<80xi32, #tpu.memory_space<vmem>>)
      tpu.yield
    }) : () -> ()
    "tpu.region"() ({
      %run_scoped3A = tpu.sem_alloc : memref<!tpu.dma_semaphore, #tpu.memory_space<semaphore_mem>>
      %dma_start3A_42 = tpu.memref_slice %arg4[%add3A_16] : memref<320000xi32, #tpu.memory_space<hbm>> -> memref<80xi32, #tpu.memory_space<hbm>>
      %dma_start3A_43 = tpu.memref_slice %arg4[%add3A_16] : memref<320000xi32, #tpu.memory_space<hbm>> -> memref<80xi32, #tpu.memory_space<hbm>>
      tpu.enqueue_dma source(%dma_start3A_43 : memref<80xi32, #tpu.memory_space<hbm>>) target(%arg8 : memref<80xi32, #tpu.memory_space<vmem>>) target_semaphore(%run_scoped3A : memref<!tpu.dma_semaphore, #tpu.memory_space<semaphore_mem>>)
      %dma_wait3A_44 = tpu.memref_slice %arg4[%add3A_16] : memref<320000xi32, #tpu.memory_space<hbm>> -> memref<80xi32, #tpu.memory_space<hbm>>
      %dma_wait3A_45 = tpu.memref_slice %arg4[%add3A_16] : memref<320000xi32, #tpu.memory_space<hbm>> -> memref<80xi32, #tpu.memory_space<hbm>>
      tpu.wait_dma2 semaphore(%run_scoped3A : memref<!tpu.dma_semaphore, #tpu.memory_space<semaphore_mem>>) src(%dma_wait3A_45 : memref<80xi32, #tpu.memory_space<hbm>>) dst(%arg8 : memref<80xi32, #tpu.memory_space<vmem>>)
      tpu.yield
    }) : () -> ()
    %dma_start3A = arith.constant 0 : i32
    %dma_start3A_17 = arith.constant 0 : i32
    %dma_start3A_18 = tpu.memref_slice %arg2[%dma_start3A, %dma_start3A_17] : memref<10000x128xf32, #tpu.memory_space<hbm>> -> memref<10000x128xf32, #tpu.memory_space<hbm>>
    tpu.enqueue_indirect_dma source(%dma_start3A_18 : memref<10000x128xf32, #tpu.memory_space<hbm>>) target(%arg9 : memref<80x128xf32, #tpu.memory_space<vmem>>) offsets(%arg7 : memref<80xi32, #tpu.memory_space<vmem>>) semaphore(%arg15 : memref<!tpu.dma_semaphore, #tpu.memory_space<semaphore_mem>>)
    %scan3A_19 = arith.constant 0 : i32
    %scan3A_20 = arith.constant 0 : i32
    %scan3A_21 = arith.constant 62 : i32
    %scan3A_22 = arith.addi %scan3A_20, %scan3A_21 : i32
    %scan3A_23 = arith.constant 1 : i32
    scf.for %scan3A_42 = %scan3A_20 to %scan3A_22 step %scan3A_23  : i32 {
      %mul3A_43 = arith.constant 2 : i32
      %mul3A_44 = arith.muli %mul3A_43, %scan3A_42 : i32
      %add3A_45 = arith.constant 1 : i32
      %add3A_46 = arith.addi %mul3A_44, %add3A_45 : i32
      %mul3A_47 = arith.constant 80 : i32
      %mul3A_48 = arith.muli %add3A_46, %mul3A_47 : i32
      %add3A_49 = arith.addi %mul3A_14, %mul3A_48 : i32
      "tpu.region"() ({
        %run_scoped3A = tpu.sem_alloc : memref<!tpu.dma_semaphore, #tpu.memory_space<semaphore_mem>>
        %dma_start3A_87 = tpu.memref_slice %arg3[%add3A_49] : memref<320000xi32, #tpu.memory_space<hbm>> -> memref<80xi32, #tpu.memory_space<hbm>>
        %dma_start3A_88 = tpu.memref_slice %arg3[%add3A_49] : memref<320000xi32, #tpu.memory_space<hbm>> -> memref<80xi32, #tpu.memory_space<hbm>>
        tpu.enqueue_dma source(%dma_start3A_88 : memref<80xi32, #tpu.memory_space<hbm>>) target(%arg10 : memref<80xi32, #tpu.memory_space<vmem>>) target_semaphore(%run_scoped3A : memref<!tpu.dma_semaphore, #tpu.memory_space<semaphore_mem>>)
        %dma_wait3A_89 = tpu.memref_slice %arg3[%add3A_49] : memref<320000xi32, #tpu.memory_space<hbm>> -> memref<80xi32, #tpu.memory_space<hbm>>
        %dma_wait3A_90 = tpu.memref_slice %arg3[%add3A_49] : memref<320000xi32, #tpu.memory_space<hbm>> -> memref<80xi32, #tpu.memory_space<hbm>>
        tpu.wait_dma2 semaphore(%run_scoped3A : memref<!tpu.dma_semaphore, #tpu.memory_space<semaphore_mem>>) src(%dma_wait3A_90 : memref<80xi32, #tpu.memory_space<hbm>>) dst(%arg10 : memref<80xi32, #tpu.memory_space<vmem>>)
        tpu.yield
      }) : () -> ()
      "tpu.region"() ({
        %run_scoped3A = tpu.sem_alloc : memref<!tpu.dma_semaphore, #tpu.memory_space<semaphore_mem>>
        %dma_start3A_87 = tpu.memref_slice %arg4[%add3A_49] : memref<320000xi32, #tpu.memory_space<hbm>> -> memref<80xi32, #tpu.memory_space<hbm>>
        %dma_start3A_88 = tpu.memref_slice %arg4[%add3A_49] : memref<320000xi32, #tpu.memory_space<hbm>> -> memref<80xi32, #tpu.memory_space<hbm>>
        tpu.enqueue_dma source(%dma_start3A_88 : memref<80xi32, #tpu.memory_space<hbm>>) target(%arg11 : memref<80xi32, #tpu.memory_space<vmem>>) target_semaphore(%run_scoped3A : memref<!tpu.dma_semaphore, #tpu.memory_space<semaphore_mem>>)
        %dma_wait3A_89 = tpu.memref_slice %arg4[%add3A_49] : memref<320000xi32, #tpu.memory_space<hbm>> -> memref<80xi32, #tpu.memory_space<hbm>>
        %dma_wait3A_90 = tpu.memref_slice %arg4[%add3A_49] : memref<320000xi32, #tpu.memory_space<hbm>> -> memref<80xi32, #tpu.memory_space<hbm>>
        tpu.wait_dma2 semaphore(%run_scoped3A : memref<!tpu.dma_semaphore, #tpu.memory_space<semaphore_mem>>) src(%dma_wait3A_90 : memref<80xi32, #tpu.memory_space<hbm>>) dst(%arg11 : memref<80xi32, #tpu.memory_space<vmem>>)
        tpu.yield
      }) : () -> ()
      %dma_start3A_50 = arith.constant 0 : i32
      %dma_start3A_51 = arith.constant 0 : i32
      %dma_start3A_52 = tpu.memref_slice %arg2[%dma_start3A_50, %dma_start3A_51] : memref<10000x128xf32, #tpu.memory_space<hbm>> -> memref<10000x128xf32, #tpu.memory_space<hbm>>
      tpu.enqueue_indirect_dma source(%dma_start3A_52 : memref<10000x128xf32, #tpu.memory_space<hbm>>) target(%arg12 : memref<80x128xf32, #tpu.memory_space<vmem>>) offsets(%arg10 : memref<80xi32, #tpu.memory_space<vmem>>) semaphore(%arg16 : memref<!tpu.dma_semaphore, #tpu.memory_space<semaphore_mem>>)
      %mul3A_53 = arith.constant 80 : i32
      %mul3A_54 = arith.muli %mul3A_44, %mul3A_53 : i32
      %add3A_55 = arith.addi %mul3A_14, %mul3A_54 : i32
      "tpu.region"() ({
        %run_scoped3A = tpu.sem_alloc : memref<!tpu.dma_semaphore, #tpu.memory_space<semaphore_mem>>
        %dma_start3A_87 = arith.constant 0 : i32
        %dma_start3A_88 = tpu.memref_slice %arg5[%add3A_55, %dma_start3A_87] : memref<320000x64xf32, #tpu.memory_space<hbm>> -> memref<80x64xf32, #tpu.memory_space<hbm>>
        %dma_start3A_89 = arith.constant 0 : i32
        %dma_start3A_90 = tpu.memref_slice %arg5[%add3A_55, %dma_start3A_89] : memref<320000x64xf32, #tpu.memory_space<hbm>> -> memref<80x64xf32, #tpu.memory_space<hbm>>
        tpu.enqueue_dma source(%dma_start3A_90 : memref<80x64xf32, #tpu.memory_space<hbm>>) target(%arg13 : memref<80x64xf32, #tpu.memory_space<vmem>>) target_semaphore(%run_scoped3A : memref<!tpu.dma_semaphore, #tpu.memory_space<semaphore_mem>>)
        %dma_wait3A_91 = arith.constant 0 : i32
        %dma_wait3A_92 = tpu.memref_slice %arg5[%add3A_55, %dma_wait3A_91] : memref<320000x64xf32, #tpu.memory_space<hbm>> -> memref<80x64xf32, #tpu.memory_space<hbm>>
        %dma_wait3A_93 = arith.constant 0 : i32
        %dma_wait3A_94 = tpu.memref_slice %arg5[%add3A_55, %dma_wait3A_93] : memref<320000x64xf32, #tpu.memory_space<hbm>> -> memref<80x64xf32, #tpu.memory_space<hbm>>
        tpu.wait_dma2 semaphore(%run_scoped3A : memref<!tpu.dma_semaphore, #tpu.memory_space<semaphore_mem>>) src(%dma_wait3A_94 : memref<80x64xf32, #tpu.memory_space<hbm>>) dst(%arg13 : memref<80x64xf32, #tpu.memory_space<vmem>>)
        tpu.yield
      }) : () -> ()
      %dma_wait3A_56 = arith.constant 0 : i32
      %dma_wait3A_57 = arith.constant 0 : i32
      %dma_wait3A_58 = tpu.memref_slice %arg2[%dma_wait3A_56, %dma_wait3A_57] : memref<10000x128xf32, #tpu.memory_space<hbm>> -> memref<10000x128xf32, #tpu.memory_space<hbm>>
      tpu.wait_indirect_dma semaphore(%arg15 : memref<!tpu.dma_semaphore, #tpu.memory_space<semaphore_mem>>) src(%dma_wait3A_58 : memref<10000x128xf32, #tpu.memory_space<hbm>>) dst(%arg9 : memref<80x128xf32, #tpu.memory_space<vmem>>)
      %scan3A_59 = arith.constant 0 : i32
      %scan3A_60 = arith.constant 0 : i32
      %scan3A_61 = arith.constant 20 : i32
      %scan3A_62 = arith.addi %scan3A_60, %scan3A_61 : i32
      %scan3A_63 = arith.constant 1 : i32
      scf.for %scan3A_87 = %scan3A_60 to %scan3A_62 step %scan3A_63  : i32 {
        %mul3A_88 = arith.constant 4 : i32
        %mul3A_89 = arith.muli %mul3A_88, %scan3A_87 : i32
        %add3A_90 = arith.constant 0 : i32
        %add3A_91 = arith.addi %mul3A_89, %add3A_90 : i32
        %get3A = arith.index_cast %add3A_91 : i32 to index
        %get3A_92 = arith.constant 0 : index
        %get3A_93 = tpu.vector_load %arg13[%get3A, %get3A_92] {strides = array<i32>} : memref<80x64xf32, #tpu.memory_space<vmem>>, vector<1x16xf32>,
        %get3A_94 = vector.shape_cast %get3A_93 : vector<1x16xf32> to vector<16xf32>
        %get3A_95 = arith.index_cast %add3A_91 : i32 to index
        %get3A_96 = arith.constant 0 : index
        %get3A_97 = tpu.vector_load %arg9[%get3A_95, %get3A_96] {strides = array<i32>} : memref<80x128xf32, #tpu.memory_space<vmem>>, vector<1x16xf32>,
        %get3A_98 = vector.shape_cast %get3A_97 : vector<1x16xf32> to vector<16xf32>
        %mul3A_99 = arith.mulf %get3A_94, %get3A_98 : vector<16xf32>
        %swap3A = arith.index_cast %add3A_91 : i32 to index
        %swap3A_100 = arith.constant 0 : index
        %swap3A_101 = tpu.vector_load %arg14[%swap3A, %swap3A_100] {strides = array<i32>} : memref<80x128xf32, #tpu.memory_space<vmem>>, vector<1x16xf32>,
        %swap3A_102 = vector.shape_cast %swap3A_101 : vector<1x16xf32> to vector<16xf32>
        %swap3A_103 = vector.shape_cast %mul3A_99 : vector<16xf32> to vector<1x16xf32>
        tpu.vector_store %arg14[%swap3A, %swap3A_100], %swap3A_103 {strides = array<i32>} : memref<80x128xf32, #tpu.memory_space<vmem>>, vector<1x16xf32>,
        %get3A_104 = arith.index_cast %add3A_91 : i32 to index
        %get3A_105 = arith.constant 16 : index
        %get3A_106 = tpu.vector_load %arg13[%get3A_104, %get3A_105] {strides = array<i32>} : memref<80x64xf32, #tpu.memory_space<vmem>>, vector<1x16xf32>,
        %get3A_107 = vector.shape_cast %get3A_106 : vector<1x16xf32> to vector<16xf32>
        %get3A_108 = arith.index_cast %add3A_91 : i32 to index
        %get3A_109 = arith.constant 16 : index
        %get3A_110 = tpu.vector_load %arg9[%get3A_108, %get3A_109] {strides = array<i32>} : memref<80x128xf32, #tpu.memory_space<vmem>>, vector<1x16xf32>,
        %get3A_111 = vector.shape_cast %get3A_110 : vector<1x16xf32> to vector<16xf32>
        %mul3A_112 = arith.mulf %get3A_107, %get3A_111 : vector<16xf32>
        %swap3A_113 = arith.index_cast %add3A_91 : i32 to index
        %swap3A_114 = arith.constant 16 : index
        %swap3A_115 = tpu.vector_load %arg14[%swap3A_113, %swap3A_114] {strides = array<i32>} : memref<80x128xf32, #tpu.memory_space<vmem>>, vector<1x16xf32>,
        %swap3A_116 = vector.shape_cast %swap3A_115 : vector<1x16xf32> to vector<16xf32>
        %swap3A_117 = vector.shape_cast %mul3A_112 : vector<16xf32> to vector<1x16xf32>
        tpu.vector_store %arg14[%swap3A_113, %swap3A_114], %swap3A_117 {strides = array<i32>} : memref<80x128xf32, #tpu.memory_space<vmem>>, vector<1x16xf32>,
        %get3A_118 = arith.index_cast %add3A_91 : i32 to index
        %get3A_119 = arith.constant 32 : index
        %get3A_120 = tpu.vector_load %arg13[%get3A_118, %get3A_119] {strides = array<i32>} : memref<80x64xf32, #tpu.memory_space<vmem>>, vector<1x16xf32>,
        %get3A_121 = vector.shape_cast %get3A_120 : vector<1x16xf32> to vector<16xf32>
        %get3A_122 = arith.index_cast %add3A_91 : i32 to index
        %get3A_123 = arith.constant 32 : index
        %get3A_124 = tpu.vector_load %arg9[%get3A_122, %get3A_123] {strides = array<i32>} : memref<80x128xf32, #tpu.memory_space<vmem>>, vector<1x16xf32>,
        %get3A_125 = vector.shape_cast %get3A_124 : vector<1x16xf32> to vector<16xf32>
        %mul3A_126 = arith.mulf %get3A_121, %get3A_125 : vector<16xf32>
        %swap3A_127 = arith.index_cast %add3A_91 : i32 to index
        %swap3A_128 = arith.constant 32 : index
        %swap3A_129 = tpu.vector_load %arg14[%swap3A_127, %swap3A_128] {strides = array<i32>} : memref<80x128xf32, #tpu.memory_space<vmem>>, vector<1x16xf32>,
        %swap3A_130 = vector.shape_cast %swap3A_129 : vector<1x16xf32> to vector<16xf32>
        %swap3A_131 = vector.shape_cast %mul3A_126 : vector<16xf32> to vector<1x16xf32>
        tpu.vector_store %arg14[%swap3A_127, %swap3A_128], %swap3A_131 {strides = array<i32>} : memref<80x128xf32, #tpu.memory_space<vmem>>, vector<1x16xf32>,
        %get3A_132 = arith.index_cast %add3A_91 : i32 to index
        %get3A_133 = arith.constant 48 : index
        %get3A_134 = tpu.vector_load %arg13[%get3A_132, %get3A_133] {strides = array<i32>} : memref<80x64xf32, #tpu.memory_space<vmem>>, vector<1x16xf32>,
        %get3A_135 = vector.shape_cast %get3A_134 : vector<1x16xf32> to vector<16xf32>
        %get3A_136 = arith.index_cast %add3A_91 : i32 to index
        %get3A_137 = arith.constant 48 : index
        %get3A_138 = tpu.vector_load %arg9[%get3A_136, %get3A_137] {strides = array<i32>} : memref<80x128xf32, #tpu.memory_space<vmem>>, vector<1x16xf32>,
        %get3A_139 = vector.shape_cast %get3A_138 : vector<1x16xf32> to vector<16xf32>
        %mul3A_140 = arith.mulf %get3A_135, %get3A_139 : vector<16xf32>
        %swap3A_141 = arith.index_cast %add3A_91 : i32 to index
        %swap3A_142 = arith.constant 48 : index
        %swap3A_143 = tpu.vector_load %arg14[%swap3A_141, %swap3A_142] {strides = array<i32>} : memref<80x128xf32, #tpu.memory_space<vmem>>, vector<1x16xf32>,
        %swap3A_144 = vector.shape_cast %swap3A_143 : vector<1x16xf32> to vector<16xf32>
        %swap3A_145 = vector.shape_cast %mul3A_140 : vector<16xf32> to vector<1x16xf32>
        tpu.vector_store %arg14[%swap3A_141, %swap3A_142], %swap3A_145 {strides = array<i32>} : memref<80x128xf32, #tpu.memory_space<vmem>>, vector<1x16xf32>,
        %mul3A_146 = arith.constant 4 : i32
        %mul3A_147 = arith.muli %mul3A_146, %scan3A_87 : i32
        %add3A_148 = arith.constant 1 : i32
        %add3A_149 = arith.addi %mul3A_147, %add3A_148 : i32
        %get3A_150 = arith.index_cast %add3A_149 : i32 to index
        %get3A_151 = arith.constant 0 : index
        %get3A_152 = tpu.vector_load %arg13[%get3A_150, %get3A_151] {strides = array<i32>} : memref<80x64xf32, #tpu.memory_space<vmem>>, vector<1x16xf32>,
        %get3A_153 = vector.shape_cast %get3A_152 : vector<1x16xf32> to vector<16xf32>
        %get3A_154 = arith.index_cast %add3A_149 : i32 to index
        %get3A_155 = arith.constant 0 : index
        %get3A_156 = tpu.vector_load %arg9[%get3A_154, %get3A_155] {strides = array<i32>} : memref<80x128xf32, #tpu.memory_space<vmem>>, vector<1x16xf32>,
        %get3A_157 = vector.shape_cast %get3A_156 : vector<1x16xf32> to vector<16xf32>
        %mul3A_158 = arith.mulf %get3A_153, %get3A_157 : vector<16xf32>
        %swap3A_159 = arith.index_cast %add3A_149 : i32 to index
        %swap3A_160 = arith.constant 0 : index
        %swap3A_161 = tpu.vector_load %arg14[%swap3A_159, %swap3A_160] {strides = array<i32>} : memref<80x128xf32, #tpu.memory_space<vmem>>, vector<1x16xf32>,
        %swap3A_162 = vector.shape_cast %swap3A_161 : vector<1x16xf32> to vector<16xf32>
        %swap3A_163 = vector.shape_cast %mul3A_158 : vector<16xf32> to vector<1x16xf32>
        tpu.vector_store %arg14[%swap3A_159, %swap3A_160], %swap3A_163 {strides = array<i32>} : memref<80x128xf32, #tpu.memory_space<vmem>>, vector<1x16xf32>,
        %get3A_164 = arith.index_cast %add3A_149 : i32 to index
        %get3A_165 = arith.constant 16 : index
        %get3A_166 = tpu.vector_load %arg13[%get3A_164, %get3A_165] {strides = array<i32>} : memref<80x64xf32, #tpu.memory_space<vmem>>, vector<1x16xf32>,
        %get3A_167 = vector.shape_cast %get3A_166 : vector<1x16xf32> to vector<16xf32>
        %get3A_168 = arith.index_cast %add3A_149 : i32 to index
        %get3A_169 = arith.constant 16 : index
        %get3A_170 = tpu.vector_load %arg9[%get3A_168, %get3A_169] {strides = array<i32>} : memref<80x128xf32, #tpu.memory_space<vmem>>, vector<1x16xf32>,
        %get3A_171 = vector.shape_cast %get3A_170 : vector<1x16xf32> to vector<16xf32>
        %mul3A_172 = arith.mulf %get3A_167, %get3A_171 : vector<16xf32>
        %swap3A_173 = arith.index_cast %add3A_149 : i32 to index
        %swap3A_174 = arith.constant 16 : index
        %swap3A_175 = tpu.vector_load %arg14[%swap3A_173, %swap3A_174] {strides = array<i32>} : memref<80x128xf32, #tpu.memory_space<vmem>>, vector<1x16xf32>,
        %swap3A_176 = vector.shape_cast %swap3A_175 : vector<1x16xf32> to vector<16xf32>
        %swap3A_177 = vector.shape_cast %mul3A_172 : vector<16xf32> to vector<1x16xf32>
        tpu.vector_store %arg14[%swap3A_173, %swap3A_174], %swap3A_177 {strides = array<i32>} : memref<80x128xf32, #tpu.memory_space<vmem>>, vector<1x16xf32>,
        %get3A_178 = arith.index_cast %add3A_149 : i32 to index
        %get3A_179 = arith.constant 32 : index
        %get3A_180 = tpu.vector_load %arg13[%get3A_178, %get3A_179] {strides = array<i32>} : memref<80x64xf32, #tpu.memory_space<vmem>>, vector<1x16xf32>,
        %get3A_181 = vector.shape_cast %get3A_180 : vector<1x16xf32> to vector<16xf32>
        %get3A_182 = arith.index_cast %add3A_149 : i32 to index
        %get3A_183 = arith.constant 32 : index
        %get3A_184 = tpu.vector_load %arg9[%get3A_182, %get3A_183] {strides = array<i32>} : memref<80x128xf32, #tpu.memory_space<vmem>>, vector<1x16xf32>,
        %get3A_185 = vector.shape_cast %get3A_184 : vector<1x16xf32> to vector<16xf32>
        %mul3A_186 = arith.mulf %get3A_181, %get3A_185 : vector<16xf32>
        %swap3A_187 = arith.index_cast %add3A_149 : i32 to index
        %swap3A_188 = arith.constant 32 : index
        %swap3A_189 = tpu.vector_load %arg14[%swap3A_187, %swap3A_188] {strides = array<i32>} : memref<80x128xf32, #tpu.memory_space<vmem>>, vector<1x16xf32>,
        %swap3A_190 = vector.shape_cast %swap3A_189 : vector<1x16xf32> to vector<16xf32>
        %swap3A_191 = vector.shape_cast %mul3A_186 : vector<16xf32> to vector<1x16xf32>
        tpu.vector_store %arg14[%swap3A_187, %swap3A_188], %swap3A_191 {strides = array<i32>} : memref<80x128xf32, #tpu.memory_space<vmem>>, vector<1x16xf32>,
        %get3A_192 = arith.index_cast %add3A_149 : i32 to index
        %get3A_193 = arith.constant 48 : index
        %get3A_194 = tpu.vector_load %arg13[%get3A_192, %get3A_193] {strides = array<i32>} : memref<80x64xf32, #tpu.memory_space<vmem>>, vector<1x16xf32>,
        %get3A_195 = vector.shape_cast %get3A_194 : vector<1x16xf32> to vector<16xf32>
        %get3A_196 = arith.index_cast %add3A_149 : i32 to index
        %get3A_197 = arith.constant 48 : index
        %get3A_198 = tpu.vector_load %arg9[%get3A_196, %get3A_197] {strides = array<i32>} : memref<80x128xf32, #tpu.memory_space<vmem>>, vector<1x16xf32>,
        %get3A_199 = vector.shape_cast %get3A_198 : vector<1x16xf32> to vector<16xf32>
        %mul3A_200 = arith.mulf %get3A_195, %get3A_199 : vector<16xf32>
        %swap3A_201 = arith.index_cast %add3A_149 : i32 to index
        %swap3A_202 = arith.constant 48 : index
        %swap3A_203 = tpu.vector_load %arg14[%swap3A_201, %swap3A_202] {strides = array<i32>} : memref<80x128xf32, #tpu.memory_space<vmem>>, vector<1x16xf32>,
        %swap3A_204 = vector.shape_cast %swap3A_203 : vector<1x16xf32> to vector<16xf32>
        %swap3A_205 = vector.shape_cast %mul3A_200 : vector<16xf32> to vector<1x16xf32>
        tpu.vector_store %arg14[%swap3A_201, %swap3A_202], %swap3A_205 {strides = array<i32>} : memref<80x128xf32, #tpu.memory_space<vmem>>, vector<1x16xf32>,
        %mul3A_206 = arith.constant 4 : i32
        %mul3A_207 = arith.muli %mul3A_206, %scan3A_87 : i32
        %add3A_208 = arith.constant 2 : i32
        %add3A_209 = arith.addi %mul3A_207, %add3A_208 : i32
        %get3A_210 = arith.index_cast %add3A_209 : i32 to index
        %get3A_211 = arith.constant 0 : index
        %get3A_212 = tpu.vector_load %arg13[%get3A_210, %get3A_211] {strides = array<i32>} : memref<80x64xf32, #tpu.memory_space<vmem>>, vector<1x16xf32>,
        %get3A_213 = vector.shape_cast %get3A_212 : vector<1x16xf32> to vector<16xf32>
        %get3A_214 = arith.index_cast %add3A_209 : i32 to index
        %get3A_215 = arith.constant 0 : index
        %get3A_216 = tpu.vector_load %arg9[%get3A_214, %get3A_215] {strides = array<i32>} : memref<80x128xf32, #tpu.memory_space<vmem>>, vector<1x16xf32>,
        %get3A_217 = vector.shape_cast %get3A_216 : vector<1x16xf32> to vector<16xf32>
        %mul3A_218 = arith.mulf %get3A_213, %get3A_217 : vector<16xf32>
        %swap3A_219 = arith.index_cast %add3A_209 : i32 to index
        %swap3A_220 = arith.constant 0 : index
        %swap3A_221 = tpu.vector_load %arg14[%swap3A_219, %swap3A_220] {strides = array<i32>} : memref<80x128xf32, #tpu.memory_space<vmem>>, vector<1x16xf32>,
        %swap3A_222 = vector.shape_cast %swap3A_221 : vector<1x16xf32> to vector<16xf32>
        %swap3A_223 = vector.shape_cast %mul3A_218 : vector<16xf32> to vector<1x16xf32>
        tpu.vector_store %arg14[%swap3A_219, %swap3A_220], %swap3A_223 {strides = array<i32>} : memref<80x128xf32, #tpu.memory_space<vmem>>, vector<1x16xf32>,
        %get3A_224 = arith.index_cast %add3A_209 : i32 to index
        %get3A_225 = arith.constant 16 : index
        %get3A_226 = tpu.vector_load %arg13[%get3A_224, %get3A_225] {strides = array<i32>} : memref<80x64xf32, #tpu.memory_space<vmem>>, vector<1x16xf32>,
        %get3A_227 = vector.shape_cast %get3A_226 : vector<1x16xf32> to vector<16xf32>
        %get3A_228 = arith.index_cast %add3A_209 : i32 to index
        %get3A_229 = arith.constant 16 : index
        %get3A_230 = tpu.vector_load %arg9[%get3A_228, %get3A_229] {strides = array<i32>} : memref<80x128xf32, #tpu.memory_space<vmem>>, vector<1x16xf32>,
        %get3A_231 = vector.shape_cast %get3A_230 : vector<1x16xf32> to vector<16xf32>
        %mul3A_232 = arith.mulf %get3A_227, %get3A_231 : vector<16xf32>
        %swap3A_233 = arith.index_cast %add3A_209 : i32 to index
        %swap3A_234 = arith.constant 16 : index
        %swap3A_235 = tpu.vector_load %arg14[%swap3A_233, %swap3A_234] {strides = array<i32>} : memref<80x128xf32, #tpu.memory_space<vmem>>, vector<1x16xf32>,
        %swap3A_236 = vector.shape_cast %swap3A_235 : vector<1x16xf32> to vector<16xf32>
        %swap3A_237 = vector.shape_cast %mul3A_232 : vector<16xf32> to vector<1x16xf32>
        tpu.vector_store %arg14[%swap3A_233, %swap3A_234], %swap3A_237 {strides = array<i32>} : memref<80x128xf32, #tpu.memory_space<vmem>>, vector<1x16xf32>,
        %get3A_238 = arith.index_cast %add3A_209 : i32 to index
        %get3A_239 = arith.constant 32 : index
        %get3A_240 = tpu.vector_load %arg13[%get3A_238, %get3A_239] {strides = array<i32>} : memref<80x64xf32, #tpu.memory_space<vmem>>, vector<1x16xf32>,
        %get3A_241 = vector.shape_cast %get3A_240 : vector<1x16xf32> to vector<16xf32>
        %get3A_242 = arith.index_cast %add3A_209 : i32 to index
        %get3A_243 = arith.constant 32 : index
        %get3A_244 = tpu.vector_load %arg9[%get3A_242, %get3A_243] {strides = array<i32>} : memref<80x128xf32, #tpu.memory_space<vmem>>, vector<1x16xf32>,
        %get3A_245 = vector.shape_cast %get3A_244 : vector<1x16xf32> to vector<16xf32>
        %mul3A_246 = arith.mulf %get3A_241, %get3A_245 : vector<16xf32>
        %swap3A_247 = arith.index_cast %add3A_209 : i32 to index
        %swap3A_248 = arith.constant 32 : index
        %swap3A_249 = tpu.vector_load %arg14[%swap3A_247, %swap3A_248] {strides = array<i32>} : memref<80x128xf32, #tpu.memory_space<vmem>>, vector<1x16xf32>,
        %swap3A_250 = vector.shape_cast %swap3A_249 : vector<1x16xf32> to vector<16xf32>
        %swap3A_251 = vector.shape_cast %mul3A_246 : vector<16xf32> to vector<1x16xf32>
        tpu.vector_store %arg14[%swap3A_247, %swap3A_248], %swap3A_251 {strides = array<i32>} : memref<80x128xf32, #tpu.memory_space<vmem>>, vector<1x16xf32>,
        %get3A_252 = arith.index_cast %add3A_209 : i32 to index
        %get3A_253 = arith.constant 48 : index
        %get3A_254 = tpu.vector_load %arg13[%get3A_252, %get3A_253] {strides = array<i32>} : memref<80x64xf32, #tpu.memory_space<vmem>>, vector<1x16xf32>,
        %get3A_255 = vector.shape_cast %get3A_254 : vector<1x16xf32> to vector<16xf32>
        %get3A_256 = arith.index_cast %add3A_209 : i32 to index
        %get3A_257 = arith.constant 48 : index
        %get3A_258 = tpu.vector_load %arg9[%get3A_256, %get3A_257] {strides = array<i32>} : memref<80x128xf32, #tpu.memory_space<vmem>>, vector<1x16xf32>,
        %get3A_259 = vector.shape_cast %get3A_258 : vector<1x16xf32> to vector<16xf32>
        %mul3A_260 = arith.mulf %get3A_255, %get3A_259 : vector<16xf32>
        %swap3A_261 = arith.index_cast %add3A_209 : i32 to index
        %swap3A_262 = arith.constant 48 : index
        %swap3A_263 = tpu.vector_load %arg14[%swap3A_261, %swap3A_262] {strides = array<i32>} : memref<80x128xf32, #tpu.memory_space<vmem>>, vector<1x16xf32>,
        %swap3A_264 = vector.shape_cast %swap3A_263 : vector<1x16xf32> to vector<16xf32>
        %swap3A_265 = vector.shape_cast %mul3A_260 : vector<16xf32> to vector<1x16xf32>
        tpu.vector_store %arg14[%swap3A_261, %swap3A_262], %swap3A_265 {strides = array<i32>} : memref<80x128xf32, #tpu.memory_space<vmem>>, vector<1x16xf32>,
        %mul3A_266 = arith.constant 4 : i32
        %mul3A_267 = arith.muli %mul3A_266, %scan3A_87 : i32
        %add3A_268 = arith.constant 3 : i32
        %add3A_269 = arith.addi %mul3A_267, %add3A_268 : i32
        %get3A_270 = arith.index_cast %add3A_269 : i32 to index
        %get3A_271 = arith.constant 0 : index
        %get3A_272 = tpu.vector_load %arg13[%get3A_270, %get3A_271] {strides = array<i32>} : memref<80x64xf32, #tpu.memory_space<vmem>>, vector<1x16xf32>,
        %get3A_273 = vector.shape_cast %get3A_272 : vector<1x16xf32> to vector<16xf32>
        %get3A_274 = arith.index_cast %add3A_269 : i32 to index
        %get3A_275 = arith.constant 0 : index
        %get3A_276 = tpu.vector_load %arg9[%get3A_274, %get3A_275] {strides = array<i32>} : memref<80x128xf32, #tpu.memory_space<vmem>>, vector<1x16xf32>,
        %get3A_277 = vector.shape_cast %get3A_276 : vector<1x16xf32> to vector<16xf32>
        %mul3A_278 = arith.mulf %get3A_273, %get3A_277 : vector<16xf32>
        %swap3A_279 = arith.index_cast %add3A_269 : i32 to index
        %swap3A_280 = arith.constant 0 : index
        %swap3A_281 = tpu.vector_load %arg14[%swap3A_279, %swap3A_280] {strides = array<i32>} : memref<80x128xf32, #tpu.memory_space<vmem>>, vector<1x16xf32>,
        %swap3A_282 = vector.shape_cast %swap3A_281 : vector<1x16xf32> to vector<16xf32>
        %swap3A_283 = vector.shape_cast %mul3A_278 : vector<16xf32> to vector<1x16xf32>
        tpu.vector_store %arg14[%swap3A_279, %swap3A_280], %swap3A_283 {strides = array<i32>} : memref<80x128xf32, #tpu.memory_space<vmem>>, vector<1x16xf32>,
        %get3A_284 = arith.index_cast %add3A_269 : i32 to index
        %get3A_285 = arith.constant 16 : index
        %get3A_286 = tpu.vector_load %arg13[%get3A_284, %get3A_285] {strides = array<i32>} : memref<80x64xf32, #tpu.memory_space<vmem>>, vector<1x16xf32>,
        %get3A_287 = vector.shape_cast %get3A_286 : vector<1x16xf32> to vector<16xf32>
        %get3A_288 = arith.index_cast %add3A_269 : i32 to index
        %get3A_289 = arith.constant 16 : index
        %get3A_290 = tpu.vector_load %arg9[%get3A_288, %get3A_289] {strides = array<i32>} : memref<80x128xf32, #tpu.memory_space<vmem>>, vector<1x16xf32>,
        %get3A_291 = vector.shape_cast %get3A_290 : vector<1x16xf32> to vector<16xf32>
        %mul3A_292 = arith.mulf %get3A_287, %get3A_291 : vector<16xf32>
        %swap3A_293 = arith.index_cast %add3A_269 : i32 to index
        %swap3A_294 = arith.constant 16 : index
        %swap3A_295 = tpu.vector_load %arg14[%swap3A_293, %swap3A_294] {strides = array<i32>} : memref<80x128xf32, #tpu.memory_space<vmem>>, vector<1x16xf32>,
        %swap3A_296 = vector.shape_cast %swap3A_295 : vector<1x16xf32> to vector<16xf32>
        %swap3A_297 = vector.shape_cast %mul3A_292 : vector<16xf32> to vector<1x16xf32>
        tpu.vector_store %arg14[%swap3A_293, %swap3A_294], %swap3A_297 {strides = array<i32>} : memref<80x128xf32, #tpu.memory_space<vmem>>, vector<1x16xf32>,
        %get3A_298 = arith.index_cast %add3A_269 : i32 to index
        %get3A_299 = arith.constant 32 : index
        %get3A_300 = tpu.vector_load %arg13[%get3A_298, %get3A_299] {strides = array<i32>} : memref<80x64xf32, #tpu.memory_space<vmem>>, vector<1x16xf32>,
        %get3A_301 = vector.shape_cast %get3A_300 : vector<1x16xf32> to vector<16xf32>
        %get3A_302 = arith.index_cast %add3A_269 : i32 to index
        %get3A_303 = arith.constant 32 : index
        %get3A_304 = tpu.vector_load %arg9[%get3A_302, %get3A_303] {strides = array<i32>} : memref<80x128xf32, #tpu.memory_space<vmem>>, vector<1x16xf32>,
        %get3A_305 = vector.shape_cast %get3A_304 : vector<1x16xf32> to vector<16xf32>
        %mul3A_306 = arith.mulf %get3A_301, %get3A_305 : vector<16xf32>
        %swap3A_307 = arith.index_cast %add3A_269 : i32 to index
        %swap3A_308 = arith.constant 32 : index
        %swap3A_309 = tpu.vector_load %arg14[%swap3A_307, %swap3A_308] {strides = array<i32>} : memref<80x128xf32, #tpu.memory_space<vmem>>, vector<1x16xf32>,
        %swap3A_310 = vector.shape_cast %swap3A_309 : vector<1x16xf32> to vector<16xf32>
        %swap3A_311 = vector.shape_cast %mul3A_306 : vector<16xf32> to vector<1x16xf32>
        tpu.vector_store %arg14[%swap3A_307, %swap3A_308], %swap3A_311 {strides = array<i32>} : memref<80x128xf32, #tpu.memory_space<vmem>>, vector<1x16xf32>,
        %get3A_312 = arith.index_cast %add3A_269 : i32 to index
        %get3A_313 = arith.constant 48 : index
        %get3A_314 = tpu.vector_load %arg13[%get3A_312, %get3A_313] {strides = array<i32>} : memref<80x64xf32, #tpu.memory_space<vmem>>, vector<1x16xf32>,
        %get3A_315 = vector.shape_cast %get3A_314 : vector<1x16xf32> to vector<16xf32>
        %get3A_316 = arith.index_cast %add3A_269 : i32 to index
        %get3A_317 = arith.constant 48 : index
        %get3A_318 = tpu.vector_load %arg9[%get3A_316, %get3A_317] {strides = array<i32>} : memref<80x128xf32, #tpu.memory_space<vmem>>, vector<1x16xf32>,
        %get3A_319 = vector.shape_cast %get3A_318 : vector<1x16xf32> to vector<16xf32>
        %mul3A_320 = arith.mulf %get3A_315, %get3A_319 : vector<16xf32>
        %swap3A_321 = arith.index_cast %add3A_269 : i32 to index
        %swap3A_322 = arith.constant 48 : index
        %swap3A_323 = tpu.vector_load %arg14[%swap3A_321, %swap3A_322] {strides = array<i32>} : memref<80x128xf32, #tpu.memory_space<vmem>>, vector<1x16xf32>,
        %swap3A_324 = vector.shape_cast %swap3A_323 : vector<1x16xf32> to vector<16xf32>
        %swap3A_325 = vector.shape_cast %mul3A_320 : vector<16xf32> to vector<1x16xf32>
        tpu.vector_store %arg14[%swap3A_321, %swap3A_322], %swap3A_325 {strides = array<i32>} : memref<80x128xf32, #tpu.memory_space<vmem>>, vector<1x16xf32>,
      }
      %scan3A_64 = arith.constant 20 : i32
      "tpu.region"() ({
        %run_scoped3A = tpu.sem_alloc : memref<!tpu.dma_semaphore, #tpu.memory_space<semaphore_mem>>
        %dma_start3A_87 = arith.constant 0 : i32
        %dma_start3A_88 = arith.constant 0 : i32
        %dma_start3A_89 = tpu.memref_slice %arg17[%dma_start3A_87, %dma_start3A_88] : memref<10000x128xf32, #tpu.memory_space<vmem_shared>> -> memref<10000x128xf32, #tpu.memory_space<vmem_shared>>
        tpu.enqueue_indirect_dma source(%arg14 : memref<80x128xf32, #tpu.memory_space<vmem>>) target(%dma_start3A_89 : memref<10000x128xf32, #tpu.memory_space<vmem_shared>>) offsets(%arg8 : memref<80xi32, #tpu.memory_space<vmem>>) semaphore(%run_scoped3A : memref<!tpu.dma_semaphore, #tpu.memory_space<semaphore_mem>>) {add = true}
        %dma_wait3A_90 = arith.constant 0 : i32
        %dma_wait3A_91 = arith.constant 0 : i32
        %dma_wait3A_92 = tpu.memref_slice %arg17[%dma_wait3A_90, %dma_wait3A_91] : memref<10000x128xf32, #tpu.memory_space<vmem_shared>> -> memref<10000x128xf32, #tpu.memory_space<vmem_shared>>
        tpu.wait_indirect_dma semaphore(%run_scoped3A : memref<!tpu.dma_semaphore, #tpu.memory_space<semaphore_mem>>) src(%arg14 : memref<80x128xf32, #tpu.memory_space<vmem>>) dst(%dma_wait3A_92 : memref<10000x128xf32, #tpu.memory_space<vmem_shared>>)
        tpu.yield
      }) : () -> ()
      %add3A_65 = arith.constant 2 : i32
      %add3A_66 = arith.addi %mul3A_44, %add3A_65 : i32
      %mul3A_67 = arith.constant 80 : i32
      %mul3A_68 = arith.muli %add3A_66, %mul3A_67 : i32
      %add3A_69 = arith.addi %mul3A_14, %mul3A_68 : i32
      "tpu.region"() ({
        %run_scoped3A = tpu.sem_alloc : memref<!tpu.dma_semaphore, #tpu.memory_space<semaphore_mem>>
        %dma_start3A_87 = tpu.memref_slice %arg3[%add3A_69] : memref<320000xi32, #tpu.memory_space<hbm>> -> memref<80xi32, #tpu.memory_space<hbm>>
        %dma_start3A_88 = tpu.memref_slice %arg3[%add3A_69] : memref<320000xi32, #tpu.memory_space<hbm>> -> memref<80xi32, #tpu.memory_space<hbm>>
        tpu.enqueue_dma source(%dma_start3A_88 : memref<80xi32, #tpu.memory_space<hbm>>) target(%arg7 : memref<80xi32, #tpu.memory_space<vmem>>) target_semaphore(%run_scoped3A : memref<!tpu.dma_semaphore, #tpu.memory_space<semaphore_mem>>)
        %dma_wait3A_89 = tpu.memref_slice %arg3[%add3A_69] : memref<320000xi32, #tpu.memory_space<hbm>> -> memref<80xi32, #tpu.memory_space<hbm>>
        %dma_wait3A_90 = tpu.memref_slice %arg3[%add3A_69] : memref<320000xi32, #tpu.memory_space<hbm>> -> memref<80xi32, #tpu.memory_space<hbm>>
        tpu.wait_dma2 semaphore(%run_scoped3A : memref<!tpu.dma_semaphore, #tpu.memory_space<semaphore_mem>>) src(%dma_wait3A_90 : memref<80xi32, #tpu.memory_space<hbm>>) dst(%arg7 : memref<80xi32, #tpu.memory_space<vmem>>)
        tpu.yield
      }) : () -> ()
      "tpu.region"() ({
        %run_scoped3A = tpu.sem_alloc : memref<!tpu.dma_semaphore, #tpu.memory_space<semaphore_mem>>
        %dma_start3A_87 = tpu.memref_slice %arg4[%add3A_69] : memref<320000xi32, #tpu.memory_space<hbm>> -> memref<80xi32, #tpu.memory_space<hbm>>
        %dma_start3A_88 = tpu.memref_slice %arg4[%add3A_69] : memref<320000xi32, #tpu.memory_space<hbm>> -> memref<80xi32, #tpu.memory_space<hbm>>
        tpu.enqueue_dma source(%dma_start3A_88 : memref<80xi32, #tpu.memory_space<hbm>>) target(%arg8 : memref<80xi32, #tpu.memory_space<vmem>>) target_semaphore(%run_scoped3A : memref<!tpu.dma_semaphore, #tpu.memory_space<semaphore_mem>>)
        %dma_wait3A_89 = tpu.memref_slice %arg4[%add3A_69] : memref<320000xi32, #tpu.memory_space<hbm>> -> memref<80xi32, #tpu.memory_space<hbm>>
        %dma_wait3A_90 = tpu.memref_slice %arg4[%add3A_69] : memref<320000xi32, #tpu.memory_space<hbm>> -> memref<80xi32, #tpu.memory_space<hbm>>
        tpu.wait_dma2 semaphore(%run_scoped3A : memref<!tpu.dma_semaphore, #tpu.memory_space<semaphore_mem>>) src(%dma_wait3A_90 : memref<80xi32, #tpu.memory_space<hbm>>) dst(%arg8 : memref<80xi32, #tpu.memory_space<vmem>>)
        tpu.yield
      }) : () -> ()
      %dma_start3A_70 = arith.constant 0 : i32
      %dma_start3A_71 = arith.constant 0 : i32
      %dma_start3A_72 = tpu.memref_slice %arg2[%dma_start3A_70, %dma_start3A_71] : memref<10000x128xf32, #tpu.memory_space<hbm>> -> memref<10000x128xf32, #tpu.memory_space<hbm>>
      tpu.enqueue_indirect_dma source(%dma_start3A_72 : memref<10000x128xf32, #tpu.memory_space<hbm>>) target(%arg9 : memref<80x128xf32, #tpu.memory_space<vmem>>) offsets(%arg7 : memref<80xi32, #tpu.memory_space<vmem>>) semaphore(%arg15 : memref<!tpu.dma_semaphore, #tpu.memory_space<semaphore_mem>>)
      %add3A_73 = arith.constant 1 : i32
      %add3A_74 = arith.addi %mul3A_44, %add3A_73 : i32
      %mul3A_75 = arith.constant 80 : i32
      %mul3A_76 = arith.muli %add3A_74, %mul3A_75 : i32
      %add3A_77 = arith.addi %mul3A_14, %mul3A_76 : i32
      "tpu.region"() ({
        %run_scoped3A = tpu.sem_alloc : memref<!tpu.dma_semaphore, #tpu.memory_space<semaphore_mem>>
        %dma_start3A_87 = arith.constant 0 : i32
        %dma_start3A_88 = tpu.memref_slice %arg5[%add3A_77, %dma_start3A_87] : memref<320000x64xf32, #tpu.memory_space<hbm>> -> memref<80x64xf32, #tpu.memory_space<hbm>>
        %dma_start3A_89 = arith.constant 0 : i32
        %dma_start3A_90 = tpu.memref_slice %arg5[%add3A_77, %dma_start3A_89] : memref<320000x64xf32, #tpu.memory_space<hbm>> -> memref<80x64xf32, #tpu.memory_space<hbm>>
        tpu.enqueue_dma source(%dma_start3A_90 : memref<80x64xf32, #tpu.memory_space<hbm>>) target(%arg13 : memref<80x64xf32, #tpu.memory_space<vmem>>) target_semaphore(%run_scoped3A : memref<!tpu.dma_semaphore, #tpu.memory_space<semaphore_mem>>)
        %dma_wait3A_91 = arith.constant 0 : i32
        %dma_wait3A_92 = tpu.memref_slice %arg5[%add3A_77, %dma_wait3A_91] : memref<320000x64xf32, #tpu.memory_space<hbm>> -> memref<80x64xf32, #tpu.memory_space<hbm>>
        %dma_wait3A_93 = arith.constant 0 : i32
        %dma_wait3A_94 = tpu.memref_slice %arg5[%add3A_77, %dma_wait3A_93] : memref<320000x64xf32, #tpu.memory_space<hbm>> -> memref<80x64xf32, #tpu.memory_space<hbm>>
        tpu.wait_dma2 semaphore(%run_scoped3A : memref<!tpu.dma_semaphore, #tpu.memory_space<semaphore_mem>>) src(%dma_wait3A_94 : memref<80x64xf32, #tpu.memory_space<hbm>>) dst(%arg13 : memref<80x64xf32, #tpu.memory_space<vmem>>)
        tpu.yield
      }) : () -> ()
      %dma_wait3A_78 = arith.constant 0 : i32
      %dma_wait3A_79 = arith.constant 0 : i32
      %dma_wait3A_80 = tpu.memref_slice %arg2[%dma_wait3A_78, %dma_wait3A_79] : memref<10000x128xf32, #tpu.memory_space<hbm>> -> memref<10000x128xf32, #tpu.memory_space<hbm>>
      tpu.wait_indirect_dma semaphore(%arg16 : memref<!tpu.dma_semaphore, #tpu.memory_space<semaphore_mem>>) src(%dma_wait3A_80 : memref<10000x128xf32, #tpu.memory_space<hbm>>) dst(%arg12 : memref<80x128xf32, #tpu.memory_space<vmem>>)
      %scan3A_81 = arith.constant 0 : i32
      %scan3A_82 = arith.constant 0 : i32
      %scan3A_83 = arith.constant 20 : i32
      %scan3A_84 = arith.addi %scan3A_82, %scan3A_83 : i32
      %scan3A_85 = arith.constant 1 : i32
      scf.for %scan3A_87 = %scan3A_82 to %scan3A_84 step %scan3A_85  : i32 {
        %mul3A_88 = arith.constant 4 : i32
        %mul3A_89 = arith.muli %mul3A_88, %scan3A_87 : i32
        %add3A_90 = arith.constant 0 : i32
        %add3A_91 = arith.addi %mul3A_89, %add3A_90 : i32
        %get3A = arith.index_cast %add3A_91 : i32 to index
        %get3A_92 = arith.constant 0 : index
        %get3A_93 = tpu.vector_load %arg13[%get3A, %get3A_92] {strides = array<i32>} : memref<80x64xf32, #tpu.memory_space<vmem>>, vector<1x16xf32>,
        %get3A_94 = vector.shape_cast %get3A_93 : vector<1x16xf32> to vector<16xf32>
        %get3A_95 = arith.index_cast %add3A_91 : i32 to index
        %get3A_96 = arith.constant 0 : index
        %get3A_97 = tpu.vector_load %arg12[%get3A_95, %get3A_96] {strides = array<i32>} : memref<80x128xf32, #tpu.memory_space<vmem>>, vector<1x16xf32>,
        %get3A_98 = vector.shape_cast %get3A_97 : vector<1x16xf32> to vector<16xf32>
        %mul3A_99 = arith.mulf %get3A_94, %get3A_98 : vector<16xf32>
        %swap3A = arith.index_cast %add3A_91 : i32 to index
        %swap3A_100 = arith.constant 0 : index
        %swap3A_101 = tpu.vector_load %arg14[%swap3A, %swap3A_100] {strides = array<i32>} : memref<80x128xf32, #tpu.memory_space<vmem>>, vector<1x16xf32>,
        %swap3A_102 = vector.shape_cast %swap3A_101 : vector<1x16xf32> to vector<16xf32>
        %swap3A_103 = vector.shape_cast %mul3A_99 : vector<16xf32> to vector<1x16xf32>
        tpu.vector_store %arg14[%swap3A, %swap3A_100], %swap3A_103 {strides = array<i32>} : memref<80x128xf32, #tpu.memory_space<vmem>>, vector<1x16xf32>,
        %get3A_104 = arith.index_cast %add3A_91 : i32 to index
        %get3A_105 = arith.constant 16 : index
        %get3A_106 = tpu.vector_load %arg13[%get3A_104, %get3A_105] {strides = array<i32>} : memref<80x64xf32, #tpu.memory_space<vmem>>, vector<1x16xf32>,
        %get3A_107 = vector.shape_cast %get3A_106 : vector<1x16xf32> to vector<16xf32>
        %get3A_108 = arith.index_cast %add3A_91 : i32 to index
        %get3A_109 = arith.constant 16 : index
        %get3A_110 = tpu.vector_load %arg12[%get3A_108, %get3A_109] {strides = array<i32>} : memref<80x128xf32, #tpu.memory_space<vmem>>, vector<1x16xf32>,
        %get3A_111 = vector.shape_cast %get3A_110 : vector<1x16xf32> to vector<16xf32>
        %mul3A_112 = arith.mulf %get3A_107, %get3A_111 : vector<16xf32>
        %swap3A_113 = arith.index_cast %add3A_91 : i32 to index
        %swap3A_114 = arith.constant 16 : index
        %swap3A_115 = tpu.vector_load %arg14[%swap3A_113, %swap3A_114] {strides = array<i32>} : memref<80x128xf32, #tpu.memory_space<vmem>>, vector<1x16xf32>,
        %swap3A_116 = vector.shape_cast %swap3A_115 : vector<1x16xf32> to vector<16xf32>
        %swap3A_117 = vector.shape_cast %mul3A_112 : vector<16xf32> to vector<1x16xf32>
        tpu.vector_store %arg14[%swap3A_113, %swap3A_114], %swap3A_117 {strides = array<i32>} : memref<80x128xf32, #tpu.memory_space<vmem>>, vector<1x16xf32>,
        %get3A_118 = arith.index_cast %add3A_91 : i32 to index
        %get3A_119 = arith.constant 32 : index
        %get3A_120 = tpu.vector_load %arg13[%get3A_118, %get3A_119] {strides = array<i32>} : memref<80x64xf32, #tpu.memory_space<vmem>>, vector<1x16xf32>,
        %get3A_121 = vector.shape_cast %get3A_120 : vector<1x16xf32> to vector<16xf32>
        %get3A_122 = arith.index_cast %add3A_91 : i32 to index
        %get3A_123 = arith.constant 32 : index
        %get3A_124 = tpu.vector_load %arg12[%get3A_122, %get3A_123] {strides = array<i32>} : memref<80x128xf32, #tpu.memory_space<vmem>>, vector<1x16xf32>,
        %get3A_125 = vector.shape_cast %get3A_124 : vector<1x16xf32> to vector<16xf32>
        %mul3A_126 = arith.mulf %get3A_121, %get3A_125 : vector<16xf32>
        %swap3A_127 = arith.index_cast %add3A_91 : i32 to index
        %swap3A_128 = arith.constant 32 : index
        %swap3A_129 = tpu.vector_load %arg14[%swap3A_127, %swap3A_128] {strides = array<i32>} : memref<80x128xf32, #tpu.memory_space<vmem>>, vector<1x16xf32>,
        %swap3A_130 = vector.shape_cast %swap3A_129 : vector<1x16xf32> to vector<16xf32>
        %swap3A_131 = vector.shape_cast %mul3A_126 : vector<16xf32> to vector<1x16xf32>
        tpu.vector_store %arg14[%swap3A_127, %swap3A_128], %swap3A_131 {strides = array<i32>} : memref<80x128xf32, #tpu.memory_space<vmem>>, vector<1x16xf32>,
        %get3A_132 = arith.index_cast %add3A_91 : i32 to index
        %get3A_133 = arith.constant 48 : index
        %get3A_134 = tpu.vector_load %arg13[%get3A_132, %get3A_133] {strides = array<i32>} : memref<80x64xf32, #tpu.memory_space<vmem>>, vector<1x16xf32>,
        %get3A_135 = vector.shape_cast %get3A_134 : vector<1x16xf32> to vector<16xf32>
        %get3A_136 = arith.index_cast %add3A_91 : i32 to index
        %get3A_137 = arith.constant 48 : index
        %get3A_138 = tpu.vector_load %arg12[%get3A_136, %get3A_137] {strides = array<i32>} : memref<80x128xf32, #tpu.memory_space<vmem>>, vector<1x16xf32>,
        %get3A_139 = vector.shape_cast %get3A_138 : vector<1x16xf32> to vector<16xf32>
        %mul3A_140 = arith.mulf %get3A_135, %get3A_139 : vector<16xf32>
        %swap3A_141 = arith.index_cast %add3A_91 : i32 to index
        %swap3A_142 = arith.constant 48 : index
        %swap3A_143 = tpu.vector_load %arg14[%swap3A_141, %swap3A_142] {strides = array<i32>} : memref<80x128xf32, #tpu.memory_space<vmem>>, vector<1x16xf32>,
        %swap3A_144 = vector.shape_cast %swap3A_143 : vector<1x16xf32> to vector<16xf32>
        %swap3A_145 = vector.shape_cast %mul3A_140 : vector<16xf32> to vector<1x16xf32>
        tpu.vector_store %arg14[%swap3A_141, %swap3A_142], %swap3A_145 {strides = array<i32>} : memref<80x128xf32, #tpu.memory_space<vmem>>, vector<1x16xf32>,
        %mul3A_146 = arith.constant 4 : i32
        %mul3A_147 = arith.muli %mul3A_146, %scan3A_87 : i32
        %add3A_148 = arith.constant 1 : i32
        %add3A_149 = arith.addi %mul3A_147, %add3A_148 : i32
        %get3A_150 = arith.index_cast %add3A_149 : i32 to index
        %get3A_151 = arith.constant 0 : index
        %get3A_152 = tpu.vector_load %arg13[%get3A_150, %get3A_151] {strides = array<i32>} : memref<80x64xf32, #tpu.memory_space<vmem>>, vector<1x16xf32>,
        %get3A_153 = vector.shape_cast %get3A_152 : vector<1x16xf32> to vector<16xf32>
        %get3A_154 = arith.index_cast %add3A_149 : i32 to index
        %get3A_155 = arith.constant 0 : index
        %get3A_156 = tpu.vector_load %arg12[%get3A_154, %get3A_155] {strides = array<i32>} : memref<80x128xf32, #tpu.memory_space<vmem>>, vector<1x16xf32>,
        %get3A_157 = vector.shape_cast %get3A_156 : vector<1x16xf32> to vector<16xf32>
        %mul3A_158 = arith.mulf %get3A_153, %get3A_157 : vector<16xf32>
        %swap3A_159 = arith.index_cast %add3A_149 : i32 to index
        %swap3A_160 = arith.constant 0 : index
        %swap3A_161 = tpu.vector_load %arg14[%swap3A_159, %swap3A_160] {strides = array<i32>} : memref<80x128xf32, #tpu.memory_space<vmem>>, vector<1x16xf32>,
        %swap3A_162 = vector.shape_cast %swap3A_161 : vector<1x16xf32> to vector<16xf32>
        %swap3A_163 = vector.shape_cast %mul3A_158 : vector<16xf32> to vector<1x16xf32>
        tpu.vector_store %arg14[%swap3A_159, %swap3A_160], %swap3A_163 {strides = array<i32>} : memref<80x128xf32, #tpu.memory_space<vmem>>, vector<1x16xf32>,
        %get3A_164 = arith.index_cast %add3A_149 : i32 to index
        %get3A_165 = arith.constant 16 : index
        %get3A_166 = tpu.vector_load %arg13[%get3A_164, %get3A_165] {strides = array<i32>} : memref<80x64xf32, #tpu.memory_space<vmem>>, vector<1x16xf32>,
        %get3A_167 = vector.shape_cast %get3A_166 : vector<1x16xf32> to vector<16xf32>
        %get3A_168 = arith.index_cast %add3A_149 : i32 to index
        %get3A_169 = arith.constant 16 : index
        %get3A_170 = tpu.vector_load %arg12[%get3A_168, %get3A_169] {strides = array<i32>} : memref<80x128xf32, #tpu.memory_space<vmem>>, vector<1x16xf32>,
        %get3A_171 = vector.shape_cast %get3A_170 : vector<1x16xf32> to vector<16xf32>
        %mul3A_172 = arith.mulf %get3A_167, %get3A_171 : vector<16xf32>
        %swap3A_173 = arith.index_cast %add3A_149 : i32 to index
        %swap3A_174 = arith.constant 16 : index
        %swap3A_175 = tpu.vector_load %arg14[%swap3A_173, %swap3A_174] {strides = array<i32>} : memref<80x128xf32, #tpu.memory_space<vmem>>, vector<1x16xf32>,
        %swap3A_176 = vector.shape_cast %swap3A_175 : vector<1x16xf32> to vector<16xf32>
        %swap3A_177 = vector.shape_cast %mul3A_172 : vector<16xf32> to vector<1x16xf32>
        tpu.vector_store %arg14[%swap3A_173, %swap3A_174], %swap3A_177 {strides = array<i32>} : memref<80x128xf32, #tpu.memory_space<vmem>>, vector<1x16xf32>,
        %get3A_178 = arith.index_cast %add3A_149 : i32 to index
        %get3A_179 = arith.constant 32 : index
        %get3A_180 = tpu.vector_load %arg13[%get3A_178, %get3A_179] {strides = array<i32>} : memref<80x64xf32, #tpu.memory_space<vmem>>, vector<1x16xf32>,
        %get3A_181 = vector.shape_cast %get3A_180 : vector<1x16xf32> to vector<16xf32>
        %get3A_182 = arith.index_cast %add3A_149 : i32 to index
        %get3A_183 = arith.constant 32 : index
        %get3A_184 = tpu.vector_load %arg12[%get3A_182, %get3A_183] {strides = array<i32>} : memref<80x128xf32, #tpu.memory_space<vmem>>, vector<1x16xf32>,
        %get3A_185 = vector.shape_cast %get3A_184 : vector<1x16xf32> to vector<16xf32>
        %mul3A_186 = arith.mulf %get3A_181, %get3A_185 : vector<16xf32>
        %swap3A_187 = arith.index_cast %add3A_149 : i32 to index
        %swap3A_188 = arith.constant 32 : index
        %swap3A_189 = tpu.vector_load %arg14[%swap3A_187, %swap3A_188] {strides = array<i32>} : memref<80x128xf32, #tpu.memory_space<vmem>>, vector<1x16xf32>,
        %swap3A_190 = vector.shape_cast %swap3A_189 : vector<1x16xf32> to vector<16xf32>
        %swap3A_191 = vector.shape_cast %mul3A_186 : vector<16xf32> to vector<1x16xf32>
        tpu.vector_store %arg14[%swap3A_187, %swap3A_188], %swap3A_191 {strides = array<i32>} : memref<80x128xf32, #tpu.memory_space<vmem>>, vector<1x16xf32>,
        %get3A_192 = arith.index_cast %add3A_149 : i32 to index
        %get3A_193 = arith.constant 48 : index
        %get3A_194 = tpu.vector_load %arg13[%get3A_192, %get3A_193] {strides = array<i32>} : memref<80x64xf32, #tpu.memory_space<vmem>>, vector<1x16xf32>,
        %get3A_195 = vector.shape_cast %get3A_194 : vector<1x16xf32> to vector<16xf32>
        %get3A_196 = arith.index_cast %add3A_149 : i32 to index
        %get3A_197 = arith.constant 48 : index
        %get3A_198 = tpu.vector_load %arg12[%get3A_196, %get3A_197] {strides = array<i32>} : memref<80x128xf32, #tpu.memory_space<vmem>>, vector<1x16xf32>,
        %get3A_199 = vector.shape_cast %get3A_198 : vector<1x16xf32> to vector<16xf32>
        %mul3A_200 = arith.mulf %get3A_195, %get3A_199 : vector<16xf32>
        %swap3A_201 = arith.index_cast %add3A_149 : i32 to index
        %swap3A_202 = arith.constant 48 : index
        %swap3A_203 = tpu.vector_load %arg14[%swap3A_201, %swap3A_202] {strides = array<i32>} : memref<80x128xf32, #tpu.memory_space<vmem>>, vector<1x16xf32>,
        %swap3A_204 = vector.shape_cast %swap3A_203 : vector<1x16xf32> to vector<16xf32>
        %swap3A_205 = vector.shape_cast %mul3A_200 : vector<16xf32> to vector<1x16xf32>
        tpu.vector_store %arg14[%swap3A_201, %swap3A_202], %swap3A_205 {strides = array<i32>} : memref<80x128xf32, #tpu.memory_space<vmem>>, vector<1x16xf32>,
        %mul3A_206 = arith.constant 4 : i32
        %mul3A_207 = arith.muli %mul3A_206, %scan3A_87 : i32
        %add3A_208 = arith.constant 2 : i32
        %add3A_209 = arith.addi %mul3A_207, %add3A_208 : i32
        %get3A_210 = arith.index_cast %add3A_209 : i32 to index
        %get3A_211 = arith.constant 0 : index
        %get3A_212 = tpu.vector_load %arg13[%get3A_210, %get3A_211] {strides = array<i32>} : memref<80x64xf32, #tpu.memory_space<vmem>>, vector<1x16xf32>,
        %get3A_213 = vector.shape_cast %get3A_212 : vector<1x16xf32> to vector<16xf32>
        %get3A_214 = arith.index_cast %add3A_209 : i32 to index
        %get3A_215 = arith.constant 0 : index
        %get3A_216 = tpu.vector_load %arg12[%get3A_214, %get3A_215] {strides = array<i32>} : memref<80x128xf32, #tpu.memory_space<vmem>>, vector<1x16xf32>,
        %get3A_217 = vector.shape_cast %get3A_216 : vector<1x16xf32> to vector<16xf32>
        %mul3A_218 = arith.mulf %get3A_213, %get3A_217 : vector<16xf32>
        %swap3A_219 = arith.index_cast %add3A_209 : i32 to index
        %swap3A_220 = arith.constant 0 : index
        %swap3A_221 = tpu.vector_load %arg14[%swap3A_219, %swap3A_220] {strides = array<i32>} : memref<80x128xf32, #tpu.memory_space<vmem>>, vector<1x16xf32>,
        %swap3A_222 = vector.shape_cast %swap3A_221 : vector<1x16xf32> to vector<16xf32>
        %swap3A_223 = vector.shape_cast %mul3A_218 : vector<16xf32> to vector<1x16xf32>
        tpu.vector_store %arg14[%swap3A_219, %swap3A_220], %swap3A_223 {strides = array<i32>} : memref<80x128xf32, #tpu.memory_space<vmem>>, vector<1x16xf32>,
        %get3A_224 = arith.index_cast %add3A_209 : i32 to index
        %get3A_225 = arith.constant 16 : index
        %get3A_226 = tpu.vector_load %arg13[%get3A_224, %get3A_225] {strides = array<i32>} : memref<80x64xf32, #tpu.memory_space<vmem>>, vector<1x16xf32>,
        %get3A_227 = vector.shape_cast %get3A_226 : vector<1x16xf32> to vector<16xf32>
        %get3A_228 = arith.index_cast %add3A_209 : i32 to index
        %get3A_229 = arith.constant 16 : index
        %get3A_230 = tpu.vector_load %arg12[%get3A_228, %get3A_229] {strides = array<i32>} : memref<80x128xf32, #tpu.memory_space<vmem>>, vector<1x16xf32>,
        %get3A_231 = vector.shape_cast %get3A_230 : vector<1x16xf32> to vector<16xf32>
        %mul3A_232 = arith.mulf %get3A_227, %get3A_231 : vector<16xf32>
        %swap3A_233 = arith.index_cast %add3A_209 : i32 to index
        %swap3A_234 = arith.constant 16 : index
        %swap3A_235 = tpu.vector_load %arg14[%swap3A_233, %swap3A_234] {strides = array<i32>} : memref<80x128xf32, #tpu.memory_space<vmem>>, vector<1x16xf32>,
        %swap3A_236 = vector.shape_cast %swap3A_235 : vector<1x16xf32> to vector<16xf32>
        %swap3A_237 = vector.shape_cast %mul3A_232 : vector<16xf32> to vector<1x16xf32>
        tpu.vector_store %arg14[%swap3A_233, %swap3A_234], %swap3A_237 {strides = array<i32>} : memref<80x128xf32, #tpu.memory_space<vmem>>, vector<1x16xf32>,
        %get3A_238 = arith.index_cast %add3A_209 : i32 to index
        %get3A_239 = arith.constant 32 : index
        %get3A_240 = tpu.vector_load %arg13[%get3A_238, %get3A_239] {strides = array<i32>} : memref<80x64xf32, #tpu.memory_space<vmem>>, vector<1x16xf32>,
        %get3A_241 = vector.shape_cast %get3A_240 : vector<1x16xf32> to vector<16xf32>
        %get3A_242 = arith.index_cast %add3A_209 : i32 to index
        %get3A_243 = arith.constant 32 : index
        %get3A_244 = tpu.vector_load %arg12[%get3A_242, %get3A_243] {strides = array<i32>} : memref<80x128xf32, #tpu.memory_space<vmem>>, vector<1x16xf32>,
        %get3A_245 = vector.shape_cast %get3A_244 : vector<1x16xf32> to vector<16xf32>
        %mul3A_246 = arith.mulf %get3A_241, %get3A_245 : vector<16xf32>
        %swap3A_247 = arith.index_cast %add3A_209 : i32 to index
        %swap3A_248 = arith.constant 32 : index
        %swap3A_249 = tpu.vector_load %arg14[%swap3A_247, %swap3A_248] {strides = array<i32>} : memref<80x128xf32, #tpu.memory_space<vmem>>, vector<1x16xf32>,
        %swap3A_250 = vector.shape_cast %swap3A_249 : vector<1x16xf32> to vector<16xf32>
        %swap3A_251 = vector.shape_cast %mul3A_246 : vector<16xf32> to vector<1x16xf32>
        tpu.vector_store %arg14[%swap3A_247, %swap3A_248], %swap3A_251 {strides = array<i32>} : memref<80x128xf32, #tpu.memory_space<vmem>>, vector<1x16xf32>,
        %get3A_252 = arith.index_cast %add3A_209 : i32 to index
        %get3A_253 = arith.constant 48 : index
        %get3A_254 = tpu.vector_load %arg13[%get3A_252, %get3A_253] {strides = array<i32>} : memref<80x64xf32, #tpu.memory_space<vmem>>, vector<1x16xf32>,
        %get3A_255 = vector.shape_cast %get3A_254 : vector<1x16xf32> to vector<16xf32>
        %get3A_256 = arith.index_cast %add3A_209 : i32 to index
        %get3A_257 = arith.constant 48 : index
        %get3A_258 = tpu.vector_load %arg12[%get3A_256, %get3A_257] {strides = array<i32>} : memref<80x128xf32, #tpu.memory_space<vmem>>, vector<1x16xf32>,
        %get3A_259 = vector.shape_cast %get3A_258 : vector<1x16xf32> to vector<16xf32>
        %mul3A_260 = arith.mulf %get3A_255, %get3A_259 : vector<16xf32>
        %swap3A_261 = arith.index_cast %add3A_209 : i32 to index
        %swap3A_262 = arith.constant 48 : index
        %swap3A_263 = tpu.vector_load %arg14[%swap3A_261, %swap3A_262] {strides = array<i32>} : memref<80x128xf32, #tpu.memory_space<vmem>>, vector<1x16xf32>,
        %swap3A_264 = vector.shape_cast %swap3A_263 : vector<1x16xf32> to vector<16xf32>
        %swap3A_265 = vector.shape_cast %mul3A_260 : vector<16xf32> to vector<1x16xf32>
        tpu.vector_store %arg14[%swap3A_261, %swap3A_262], %swap3A_265 {strides = array<i32>} : memref<80x128xf32, #tpu.memory_space<vmem>>, vector<1x16xf32>,
        %mul3A_266 = arith.constant 4 : i32
        %mul3A_267 = arith.muli %mul3A_266, %scan3A_87 : i32
        %add3A_268 = arith.constant 3 : i32
        %add3A_269 = arith.addi %mul3A_267, %add3A_268 : i32
        %get3A_270 = arith.index_cast %add3A_269 : i32 to index
        %get3A_271 = arith.constant 0 : index
        %get3A_272 = tpu.vector_load %arg13[%get3A_270, %get3A_271] {strides = array<i32>} : memref<80x64xf32, #tpu.memory_space<vmem>>, vector<1x16xf32>,
        %get3A_273 = vector.shape_cast %get3A_272 : vector<1x16xf32> to vector<16xf32>
        %get3A_274 = arith.index_cast %add3A_269 : i32 to index
        %get3A_275 = arith.constant 0 : index
        %get3A_276 = tpu.vector_load %arg12[%get3A_274, %get3A_275] {strides = array<i32>} : memref<80x128xf32, #tpu.memory_space<vmem>>, vector<1x16xf32>,
        %get3A_277 = vector.shape_cast %get3A_276 : vector<1x16xf32> to vector<16xf32>
        %mul3A_278 = arith.mulf %get3A_273, %get3A_277 : vector<16xf32>
        %swap3A_279 = arith.index_cast %add3A_269 : i32 to index
        %swap3A_280 = arith.constant 0 : index
        %swap3A_281 = tpu.vector_load %arg14[%swap3A_279, %swap3A_280] {strides = array<i32>} : memref<80x128xf32, #tpu.memory_space<vmem>>, vector<1x16xf32>,
        %swap3A_282 = vector.shape_cast %swap3A_281 : vector<1x16xf32> to vector<16xf32>
        %swap3A_283 = vector.shape_cast %mul3A_278 : vector<16xf32> to vector<1x16xf32>
        tpu.vector_store %arg14[%swap3A_279, %swap3A_280], %swap3A_283 {strides = array<i32>} : memref<80x128xf32, #tpu.memory_space<vmem>>, vector<1x16xf32>,
        %get3A_284 = arith.index_cast %add3A_269 : i32 to index
        %get3A_285 = arith.constant 16 : index
        %get3A_286 = tpu.vector_load %arg13[%get3A_284, %get3A_285] {strides = array<i32>} : memref<80x64xf32, #tpu.memory_space<vmem>>, vector<1x16xf32>,
        %get3A_287 = vector.shape_cast %get3A_286 : vector<1x16xf32> to vector<16xf32>
        %get3A_288 = arith.index_cast %add3A_269 : i32 to index
        %get3A_289 = arith.constant 16 : index
        %get3A_290 = tpu.vector_load %arg12[%get3A_288, %get3A_289] {strides = array<i32>} : memref<80x128xf32, #tpu.memory_space<vmem>>, vector<1x16xf32>,
        %get3A_291 = vector.shape_cast %get3A_290 : vector<1x16xf32> to vector<16xf32>
        %mul3A_292 = arith.mulf %get3A_287, %get3A_291 : vector<16xf32>
        %swap3A_293 = arith.index_cast %add3A_269 : i32 to index
        %swap3A_294 = arith.constant 16 : index
        %swap3A_295 = tpu.vector_load %arg14[%swap3A_293, %swap3A_294] {strides = array<i32>} : memref<80x128xf32, #tpu.memory_space<vmem>>, vector<1x16xf32>,
        %swap3A_296 = vector.shape_cast %swap3A_295 : vector<1x16xf32> to vector<16xf32>
        %swap3A_297 = vector.shape_cast %mul3A_292 : vector<16xf32> to vector<1x16xf32>
        tpu.vector_store %arg14[%swap3A_293, %swap3A_294], %swap3A_297 {strides = array<i32>} : memref<80x128xf32, #tpu.memory_space<vmem>>, vector<1x16xf32>,
        %get3A_298 = arith.index_cast %add3A_269 : i32 to index
        %get3A_299 = arith.constant 32 : index
        %get3A_300 = tpu.vector_load %arg13[%get3A_298, %get3A_299] {strides = array<i32>} : memref<80x64xf32, #tpu.memory_space<vmem>>, vector<1x16xf32>,
        %get3A_301 = vector.shape_cast %get3A_300 : vector<1x16xf32> to vector<16xf32>
        %get3A_302 = arith.index_cast %add3A_269 : i32 to index
        %get3A_303 = arith.constant 32 : index
        %get3A_304 = tpu.vector_load %arg12[%get3A_302, %get3A_303] {strides = array<i32>} : memref<80x128xf32, #tpu.memory_space<vmem>>, vector<1x16xf32>,
        %get3A_305 = vector.shape_cast %get3A_304 : vector<1x16xf32> to vector<16xf32>
        %mul3A_306 = arith.mulf %get3A_301, %get3A_305 : vector<16xf32>
        %swap3A_307 = arith.index_cast %add3A_269 : i32 to index
        %swap3A_308 = arith.constant 32 : index
        %swap3A_309 = tpu.vector_load %arg14[%swap3A_307, %swap3A_308] {strides = array<i32>} : memref<80x128xf32, #tpu.memory_space<vmem>>, vector<1x16xf32>,
        %swap3A_310 = vector.shape_cast %swap3A_309 : vector<1x16xf32> to vector<16xf32>
        %swap3A_311 = vector.shape_cast %mul3A_306 : vector<16xf32> to vector<1x16xf32>
        tpu.vector_store %arg14[%swap3A_307, %swap3A_308], %swap3A_311 {strides = array<i32>} : memref<80x128xf32, #tpu.memory_space<vmem>>, vector<1x16xf32>,
        %get3A_312 = arith.index_cast %add3A_269 : i32 to index
        %get3A_313 = arith.constant 48 : index
        %get3A_314 = tpu.vector_load %arg13[%get3A_312, %get3A_313] {strides = array<i32>} : memref<80x64xf32, #tpu.memory_space<vmem>>, vector<1x16xf32>,
        %get3A_315 = vector.shape_cast %get3A_314 : vector<1x16xf32> to vector<16xf32>
        %get3A_316 = arith.index_cast %add3A_269 : i32 to index
        %get3A_317 = arith.constant 48 : index
        %get3A_318 = tpu.vector_load %arg12[%get3A_316, %get3A_317] {strides = array<i32>} : memref<80x128xf32, #tpu.memory_space<vmem>>, vector<1x16xf32>,
        %get3A_319 = vector.shape_cast %get3A_318 : vector<1x16xf32> to vector<16xf32>
        %mul3A_320 = arith.mulf %get3A_315, %get3A_319 : vector<16xf32>
        %swap3A_321 = arith.index_cast %add3A_269 : i32 to index
        %swap3A_322 = arith.constant 48 : index
        %swap3A_323 = tpu.vector_load %arg14[%swap3A_321, %swap3A_322] {strides = array<i32>} : memref<80x128xf32, #tpu.memory_space<vmem>>, vector<1x16xf32>,
        %swap3A_324 = vector.shape_cast %swap3A_323 : vector<1x16xf32> to vector<16xf32>
        %swap3A_325 = vector.shape_cast %mul3A_320 : vector<16xf32> to vector<1x16xf32>
        tpu.vector_store %arg14[%swap3A_321, %swap3A_322], %swap3A_325 {strides = array<i32>} : memref<80x128xf32, #tpu.memory_space<vmem>>, vector<1x16xf32>,
      }
      %scan3A_86 = arith.constant 20 : i32
      "tpu.region"() ({
        %run_scoped3A = tpu.sem_alloc : memref<!tpu.dma_semaphore, #tpu.memory_space<semaphore_mem>>
        %dma_start3A_87 = arith.constant 0 : i32
        %dma_start3A_88 = arith.constant 0 : i32
        %dma_start3A_89 = tpu.memref_slice %arg17[%dma_start3A_87, %dma_start3A_88] : memref<10000x128xf32, #tpu.memory_space<vmem_shared>> -> memref<10000x128xf32, #tpu.memory_space<vmem_shared>>
        tpu.enqueue_indirect_dma source(%arg14 : memref<80x128xf32, #tpu.memory_space<vmem>>) target(%dma_start3A_89 : memref<10000x128xf32, #tpu.memory_space<vmem_shared>>) offsets(%arg11 : memref<80xi32, #tpu.memory_space<vmem>>) semaphore(%run_scoped3A : memref<!tpu.dma_semaphore, #tpu.memory_space<semaphore_mem>>) {add = true}
        %dma_wait3A_90 = arith.constant 0 : i32
        %dma_wait3A_91 = arith.constant 0 : i32
        %dma_wait3A_92 = tpu.memref_slice %arg17[%dma_wait3A_90, %dma_wait3A_91] : memref<10000x128xf32, #tpu.memory_space<vmem_shared>> -> memref<10000x128xf32, #tpu.memory_space<vmem_shared>>
        tpu.wait_indirect_dma semaphore(%run_scoped3A : memref<!tpu.dma_semaphore, #tpu.memory_space<semaphore_mem>>) src(%arg14 : memref<80x128xf32, #tpu.memory_space<vmem>>) dst(%dma_wait3A_92 : memref<10000x128xf32, #tpu.memory_space<vmem_shared>>)
        tpu.yield
      }) : () -> ()
    }
    %scan3A_24 = arith.constant 62 : i32
    %add3A_25 = arith.constant 9920 : i32
    %add3A_26 = arith.addi %mul3A_14, %add3A_25 : i32
    "tpu.region"() ({
      %run_scoped3A = tpu.sem_alloc : memref<!tpu.dma_semaphore, #tpu.memory_space<semaphore_mem>>
      %dma_start3A_42 = arith.constant 0 : i32
      %dma_start3A_43 = tpu.memref_slice %arg5[%add3A_26, %dma_start3A_42] : memref<320000x64xf32, #tpu.memory_space<hbm>> -> memref<80x64xf32, #tpu.memory_space<hbm>>
      %dma_start3A_44 = arith.constant 0 : i32
      %dma_start3A_45 = tpu.memref_slice %arg5[%add3A_26, %dma_start3A_44] : memref<320000x64xf32, #tpu.memory_space<hbm>> -> memref<80x64xf32, #tpu.memory_space<hbm>>
      tpu.enqueue_dma source(%dma_start3A_45 : memref<80x64xf32, #tpu.memory_space<hbm>>) target(%arg13 : memref<80x64xf32, #tpu.memory_space<vmem>>) target_semaphore(%run_scoped3A : memref<!tpu.dma_semaphore, #tpu.memory_space<semaphore_mem>>)
      %dma_wait3A_46 = arith.constant 0 : i32
      %dma_wait3A_47 = tpu.memref_slice %arg5[%add3A_26, %dma_wait3A_46] : memref<320000x64xf32, #tpu.memory_space<hbm>> -> memref<80x64xf32, #tpu.memory_space<hbm>>
      %dma_wait3A_48 = arith.constant 0 : i32
      %dma_wait3A_49 = tpu.memref_slice %arg5[%add3A_26, %dma_wait3A_48] : memref<320000x64xf32, #tpu.memory_space<hbm>> -> memref<80x64xf32, #tpu.memory_space<hbm>>
      tpu.wait_dma2 semaphore(%run_scoped3A : memref<!tpu.dma_semaphore, #tpu.memory_space<semaphore_mem>>) src(%dma_wait3A_49 : memref<80x64xf32, #tpu.memory_space<hbm>>) dst(%arg13 : memref<80x64xf32, #tpu.memory_space<vmem>>)
      tpu.yield
    }) : () -> ()
    %dma_wait3A = arith.constant 0 : i32
    %dma_wait3A_27 = arith.constant 0 : i32
    %dma_wait3A_28 = tpu.memref_slice %arg2[%dma_wait3A, %dma_wait3A_27] : memref<10000x128xf32, #tpu.memory_space<hbm>> -> memref<10000x128xf32, #tpu.memory_space<hbm>>
    tpu.wait_indirect_dma semaphore(%arg15 : memref<!tpu.dma_semaphore, #tpu.memory_space<semaphore_mem>>) src(%dma_wait3A_28 : memref<10000x128xf32, #tpu.memory_space<hbm>>) dst(%arg9 : memref<80x128xf32, #tpu.memory_space<vmem>>)
    %scan3A_29 = arith.constant 0 : i32
    %scan3A_30 = arith.constant 0 : i32
    %scan3A_31 = arith.constant 20 : i32
    %scan3A_32 = arith.addi %scan3A_30, %scan3A_31 : i32
    %scan3A_33 = arith.constant 1 : i32
    scf.for %scan3A_42 = %scan3A_30 to %scan3A_32 step %scan3A_33  : i32 {
      %mul3A_43 = arith.constant 4 : i32
      %mul3A_44 = arith.muli %mul3A_43, %scan3A_42 : i32
      %add3A_45 = arith.constant 0 : i32
      %add3A_46 = arith.addi %mul3A_44, %add3A_45 : i32
      %get3A = arith.index_cast %add3A_46 : i32 to index
      %get3A_47 = arith.constant 0 : index
      %get3A_48 = tpu.vector_load %arg13[%get3A, %get3A_47] {strides = array<i32>} : memref<80x64xf32, #tpu.memory_space<vmem>>, vector<1x16xf32>,
      %get3A_49 = vector.shape_cast %get3A_48 : vector<1x16xf32> to vector<16xf32>
      %get3A_50 = arith.index_cast %add3A_46 : i32 to index
      %get3A_51 = arith.constant 0 : index
      %get3A_52 = tpu.vector_load %arg9[%get3A_50, %get3A_51] {strides = array<i32>} : memref<80x128xf32, #tpu.memory_space<vmem>>, vector<1x16xf32>,
      %get3A_53 = vector.shape_cast %get3A_52 : vector<1x16xf32> to vector<16xf32>
      %mul3A_54 = arith.mulf %get3A_49, %get3A_53 : vector<16xf32>
      %swap3A = arith.index_cast %add3A_46 : i32 to index
      %swap3A_55 = arith.constant 0 : index
      %swap3A_56 = tpu.vector_load %arg14[%swap3A, %swap3A_55] {strides = array<i32>} : memref<80x128xf32, #tpu.memory_space<vmem>>, vector<1x16xf32>,
      %swap3A_57 = vector.shape_cast %swap3A_56 : vector<1x16xf32> to vector<16xf32>
      %swap3A_58 = vector.shape_cast %mul3A_54 : vector<16xf32> to vector<1x16xf32>
      tpu.vector_store %arg14[%swap3A, %swap3A_55], %swap3A_58 {strides = array<i32>} : memref<80x128xf32, #tpu.memory_space<vmem>>, vector<1x16xf32>,
      %get3A_59 = arith.index_cast %add3A_46 : i32 to index
      %get3A_60 = arith.constant 16 : index
      %get3A_61 = tpu.vector_load %arg13[%get3A_59, %get3A_60] {strides = array<i32>} : memref<80x64xf32, #tpu.memory_space<vmem>>, vector<1x16xf32>,
      %get3A_62 = vector.shape_cast %get3A_61 : vector<1x16xf32> to vector<16xf32>
      %get3A_63 = arith.index_cast %add3A_46 : i32 to index
      %get3A_64 = arith.constant 16 : index
      %get3A_65 = tpu.vector_load %arg9[%get3A_63, %get3A_64] {strides = array<i32>} : memref<80x128xf32, #tpu.memory_space<vmem>>, vector<1x16xf32>,
      %get3A_66 = vector.shape_cast %get3A_65 : vector<1x16xf32> to vector<16xf32>
      %mul3A_67 = arith.mulf %get3A_62, %get3A_66 : vector<16xf32>
      %swap3A_68 = arith.index_cast %add3A_46 : i32 to index
      %swap3A_69 = arith.constant 16 : index
      %swap3A_70 = tpu.vector_load %arg14[%swap3A_68, %swap3A_69] {strides = array<i32>} : memref<80x128xf32, #tpu.memory_space<vmem>>, vector<1x16xf32>,
      %swap3A_71 = vector.shape_cast %swap3A_70 : vector<1x16xf32> to vector<16xf32>
      %swap3A_72 = vector.shape_cast %mul3A_67 : vector<16xf32> to vector<1x16xf32>
      tpu.vector_store %arg14[%swap3A_68, %swap3A_69], %swap3A_72 {strides = array<i32>} : memref<80x128xf32, #tpu.memory_space<vmem>>, vector<1x16xf32>,
      %get3A_73 = arith.index_cast %add3A_46 : i32 to index
      %get3A_74 = arith.constant 32 : index
      %get3A_75 = tpu.vector_load %arg13[%get3A_73, %get3A_74] {strides = array<i32>} : memref<80x64xf32, #tpu.memory_space<vmem>>, vector<1x16xf32>,
      %get3A_76 = vector.shape_cast %get3A_75 : vector<1x16xf32> to vector<16xf32>
      %get3A_77 = arith.index_cast %add3A_46 : i32 to index
      %get3A_78 = arith.constant 32 : index
      %get3A_79 = tpu.vector_load %arg9[%get3A_77, %get3A_78] {strides = array<i32>} : memref<80x128xf32, #tpu.memory_space<vmem>>, vector<1x16xf32>,
      %get3A_80 = vector.shape_cast %get3A_79 : vector<1x16xf32> to vector<16xf32>
      %mul3A_81 = arith.mulf %get3A_76, %get3A_80 : vector<16xf32>
      %swap3A_82 = arith.index_cast %add3A_46 : i32 to index
      %swap3A_83 = arith.constant 32 : index
      %swap3A_84 = tpu.vector_load %arg14[%swap3A_82, %swap3A_83] {strides = array<i32>} : memref<80x128xf32, #tpu.memory_space<vmem>>, vector<1x16xf32>,
      %swap3A_85 = vector.shape_cast %swap3A_84 : vector<1x16xf32> to vector<16xf32>
      %swap3A_86 = vector.shape_cast %mul3A_81 : vector<16xf32> to vector<1x16xf32>
      tpu.vector_store %arg14[%swap3A_82, %swap3A_83], %swap3A_86 {strides = array<i32>} : memref<80x128xf32, #tpu.memory_space<vmem>>, vector<1x16xf32>,
      %get3A_87 = arith.index_cast %add3A_46 : i32 to index
      %get3A_88 = arith.constant 48 : index
      %get3A_89 = tpu.vector_load %arg13[%get3A_87, %get3A_88] {strides = array<i32>} : memref<80x64xf32, #tpu.memory_space<vmem>>, vector<1x16xf32>,
      %get3A_90 = vector.shape_cast %get3A_89 : vector<1x16xf32> to vector<16xf32>
      %get3A_91 = arith.index_cast %add3A_46 : i32 to index
      %get3A_92 = arith.constant 48 : index
      %get3A_93 = tpu.vector_load %arg9[%get3A_91, %get3A_92] {strides = array<i32>} : memref<80x128xf32, #tpu.memory_space<vmem>>, vector<1x16xf32>,
      %get3A_94 = vector.shape_cast %get3A_93 : vector<1x16xf32> to vector<16xf32>
      %mul3A_95 = arith.mulf %get3A_90, %get3A_94 : vector<16xf32>
      %swap3A_96 = arith.index_cast %add3A_46 : i32 to index
      %swap3A_97 = arith.constant 48 : index
      %swap3A_98 = tpu.vector_load %arg14[%swap3A_96, %swap3A_97] {strides = array<i32>} : memref<80x128xf32, #tpu.memory_space<vmem>>, vector<1x16xf32>,
      %swap3A_99 = vector.shape_cast %swap3A_98 : vector<1x16xf32> to vector<16xf32>
      %swap3A_100 = vector.shape_cast %mul3A_95 : vector<16xf32> to vector<1x16xf32>
      tpu.vector_store %arg14[%swap3A_96, %swap3A_97], %swap3A_100 {strides = array<i32>} : memref<80x128xf32, #tpu.memory_space<vmem>>, vector<1x16xf32>,
      %mul3A_101 = arith.constant 4 : i32
      %mul3A_102 = arith.muli %mul3A_101, %scan3A_42 : i32
      %add3A_103 = arith.constant 1 : i32
      %add3A_104 = arith.addi %mul3A_102, %add3A_103 : i32
      %get3A_105 = arith.index_cast %add3A_104 : i32 to index
      %get3A_106 = arith.constant 0 : index
      %get3A_107 = tpu.vector_load %arg13[%get3A_105, %get3A_106] {strides = array<i32>} : memref<80x64xf32, #tpu.memory_space<vmem>>, vector<1x16xf32>,
      %get3A_108 = vector.shape_cast %get3A_107 : vector<1x16xf32> to vector<16xf32>
      %get3A_109 = arith.index_cast %add3A_104 : i32 to index
      %get3A_110 = arith.constant 0 : index
      %get3A_111 = tpu.vector_load %arg9[%get3A_109, %get3A_110] {strides = array<i32>} : memref<80x128xf32, #tpu.memory_space<vmem>>, vector<1x16xf32>,
      %get3A_112 = vector.shape_cast %get3A_111 : vector<1x16xf32> to vector<16xf32>
      %mul3A_113 = arith.mulf %get3A_108, %get3A_112 : vector<16xf32>
      %swap3A_114 = arith.index_cast %add3A_104 : i32 to index
      %swap3A_115 = arith.constant 0 : index
      %swap3A_116 = tpu.vector_load %arg14[%swap3A_114, %swap3A_115] {strides = array<i32>} : memref<80x128xf32, #tpu.memory_space<vmem>>, vector<1x16xf32>,
      %swap3A_117 = vector.shape_cast %swap3A_116 : vector<1x16xf32> to vector<16xf32>
      %swap3A_118 = vector.shape_cast %mul3A_113 : vector<16xf32> to vector<1x16xf32>
      tpu.vector_store %arg14[%swap3A_114, %swap3A_115], %swap3A_118 {strides = array<i32>} : memref<80x128xf32, #tpu.memory_space<vmem>>, vector<1x16xf32>,
      %get3A_119 = arith.index_cast %add3A_104 : i32 to index
      %get3A_120 = arith.constant 16 : index
      %get3A_121 = tpu.vector_load %arg13[%get3A_119, %get3A_120] {strides = array<i32>} : memref<80x64xf32, #tpu.memory_space<vmem>>, vector<1x16xf32>,
      %get3A_122 = vector.shape_cast %get3A_121 : vector<1x16xf32> to vector<16xf32>
      %get3A_123 = arith.index_cast %add3A_104 : i32 to index
      %get3A_124 = arith.constant 16 : index
      %get3A_125 = tpu.vector_load %arg9[%get3A_123, %get3A_124] {strides = array<i32>} : memref<80x128xf32, #tpu.memory_space<vmem>>, vector<1x16xf32>,
      %get3A_126 = vector.shape_cast %get3A_125 : vector<1x16xf32> to vector<16xf32>
      %mul3A_127 = arith.mulf %get3A_122, %get3A_126 : vector<16xf32>
      %swap3A_128 = arith.index_cast %add3A_104 : i32 to index
      %swap3A_129 = arith.constant 16 : index
      %swap3A_130 = tpu.vector_load %arg14[%swap3A_128, %swap3A_129] {strides = array<i32>} : memref<80x128xf32, #tpu.memory_space<vmem>>, vector<1x16xf32>,
      %swap3A_131 = vector.shape_cast %swap3A_130 : vector<1x16xf32> to vector<16xf32>
      %swap3A_132 = vector.shape_cast %mul3A_127 : vector<16xf32> to vector<1x16xf32>
      tpu.vector_store %arg14[%swap3A_128, %swap3A_129], %swap3A_132 {strides = array<i32>} : memref<80x128xf32, #tpu.memory_space<vmem>>, vector<1x16xf32>,
      %get3A_133 = arith.index_cast %add3A_104 : i32 to index
      %get3A_134 = arith.constant 32 : index
      %get3A_135 = tpu.vector_load %arg13[%get3A_133, %get3A_134] {strides = array<i32>} : memref<80x64xf32, #tpu.memory_space<vmem>>, vector<1x16xf32>,
      %get3A_136 = vector.shape_cast %get3A_135 : vector<1x16xf32> to vector<16xf32>
      %get3A_137 = arith.index_cast %add3A_104 : i32 to index
      %get3A_138 = arith.constant 32 : index
      %get3A_139 = tpu.vector_load %arg9[%get3A_137, %get3A_138] {strides = array<i32>} : memref<80x128xf32, #tpu.memory_space<vmem>>, vector<1x16xf32>,
      %get3A_140 = vector.shape_cast %get3A_139 : vector<1x16xf32> to vector<16xf32>
      %mul3A_141 = arith.mulf %get3A_136, %get3A_140 : vector<16xf32>
      %swap3A_142 = arith.index_cast %add3A_104 : i32 to index
      %swap3A_143 = arith.constant 32 : index
      %swap3A_144 = tpu.vector_load %arg14[%swap3A_142, %swap3A_143] {strides = array<i32>} : memref<80x128xf32, #tpu.memory_space<vmem>>, vector<1x16xf32>,
      %swap3A_145 = vector.shape_cast %swap3A_144 : vector<1x16xf32> to vector<16xf32>
      %swap3A_146 = vector.shape_cast %mul3A_141 : vector<16xf32> to vector<1x16xf32>
      tpu.vector_store %arg14[%swap3A_142, %swap3A_143], %swap3A_146 {strides = array<i32>} : memref<80x128xf32, #tpu.memory_space<vmem>>, vector<1x16xf32>,
      %get3A_147 = arith.index_cast %add3A_104 : i32 to index
      %get3A_148 = arith.constant 48 : index
      %get3A_149 = tpu.vector_load %arg13[%get3A_147, %get3A_148] {strides = array<i32>} : memref<80x64xf32, #tpu.memory_space<vmem>>, vector<1x16xf32>,
      %get3A_150 = vector.shape_cast %get3A_149 : vector<1x16xf32> to vector<16xf32>
      %get3A_151 = arith.index_cast %add3A_104 : i32 to index
      %get3A_152 = arith.constant 48 : index
      %get3A_153 = tpu.vector_load %arg9[%get3A_151, %get3A_152] {strides = array<i32>} : memref<80x128xf32, #tpu.memory_space<vmem>>, vector<1x16xf32>,
      %get3A_154 = vector.shape_cast %get3A_153 : vector<1x16xf32> to vector<16xf32>
      %mul3A_155 = arith.mulf %get3A_150, %get3A_154 : vector<16xf32>
      %swap3A_156 = arith.index_cast %add3A_104 : i32 to index
      %swap3A_157 = arith.constant 48 : index
      %swap3A_158 = tpu.vector_load %arg14[%swap3A_156, %swap3A_157] {strides = array<i32>} : memref<80x128xf32, #tpu.memory_space<vmem>>, vector<1x16xf32>,
      %swap3A_159 = vector.shape_cast %swap3A_158 : vector<1x16xf32> to vector<16xf32>
      %swap3A_160 = vector.shape_cast %mul3A_155 : vector<16xf32> to vector<1x16xf32>
      tpu.vector_store %arg14[%swap3A_156, %swap3A_157], %swap3A_160 {strides = array<i32>} : memref<80x128xf32, #tpu.memory_space<vmem>>, vector<1x16xf32>,
      %mul3A_161 = arith.constant 4 : i32
      %mul3A_162 = arith.muli %mul3A_161, %scan3A_42 : i32
      %add3A_163 = arith.constant 2 : i32
      %add3A_164 = arith.addi %mul3A_162, %add3A_163 : i32
      %get3A_165 = arith.index_cast %add3A_164 : i32 to index
      %get3A_166 = arith.constant 0 : index
      %get3A_167 = tpu.vector_load %arg13[%get3A_165, %get3A_166] {strides = array<i32>} : memref<80x64xf32, #tpu.memory_space<vmem>>, vector<1x16xf32>,
      %get3A_168 = vector.shape_cast %get3A_167 : vector<1x16xf32> to vector<16xf32>
      %get3A_169 = arith.index_cast %add3A_164 : i32 to index
      %get3A_170 = arith.constant 0 : index
      %get3A_171 = tpu.vector_load %arg9[%get3A_169, %get3A_170] {strides = array<i32>} : memref<80x128xf32, #tpu.memory_space<vmem>>, vector<1x16xf32>,
      %get3A_172 = vector.shape_cast %get3A_171 : vector<1x16xf32> to vector<16xf32>
      %mul3A_173 = arith.mulf %get3A_168, %get3A_172 : vector<16xf32>
      %swap3A_174 = arith.index_cast %add3A_164 : i32 to index
      %swap3A_175 = arith.constant 0 : index
      %swap3A_176 = tpu.vector_load %arg14[%swap3A_174, %swap3A_175] {strides = array<i32>} : memref<80x128xf32, #tpu.memory_space<vmem>>, vector<1x16xf32>,
      %swap3A_177 = vector.shape_cast %swap3A_176 : vector<1x16xf32> to vector<16xf32>
      %swap3A_178 = vector.shape_cast %mul3A_173 : vector<16xf32> to vector<1x16xf32>
      tpu.vector_store %arg14[%swap3A_174, %swap3A_175], %swap3A_178 {strides = array<i32>} : memref<80x128xf32, #tpu.memory_space<vmem>>, vector<1x16xf32>,
      %get3A_179 = arith.index_cast %add3A_164 : i32 to index
      %get3A_180 = arith.constant 16 : index
      %get3A_181 = tpu.vector_load %arg13[%get3A_179, %get3A_180] {strides = array<i32>} : memref<80x64xf32, #tpu.memory_space<vmem>>, vector<1x16xf32>,
      %get3A_182 = vector.shape_cast %get3A_181 : vector<1x16xf32> to vector<16xf32>
      %get3A_183 = arith.index_cast %add3A_164 : i32 to index
      %get3A_184 = arith.constant 16 : index
      %get3A_185 = tpu.vector_load %arg9[%get3A_183, %get3A_184] {strides = array<i32>} : memref<80x128xf32, #tpu.memory_space<vmem>>, vector<1x16xf32>,
      %get3A_186 = vector.shape_cast %get3A_185 : vector<1x16xf32> to vector<16xf32>
      %mul3A_187 = arith.mulf %get3A_182, %get3A_186 : vector<16xf32>
      %swap3A_188 = arith.index_cast %add3A_164 : i32 to index
      %swap3A_189 = arith.constant 16 : index
      %swap3A_190 = tpu.vector_load %arg14[%swap3A_188, %swap3A_189] {strides = array<i32>} : memref<80x128xf32, #tpu.memory_space<vmem>>, vector<1x16xf32>,
      %swap3A_191 = vector.shape_cast %swap3A_190 : vector<1x16xf32> to vector<16xf32>
      %swap3A_192 = vector.shape_cast %mul3A_187 : vector<16xf32> to vector<1x16xf32>
      tpu.vector_store %arg14[%swap3A_188, %swap3A_189], %swap3A_192 {strides = array<i32>} : memref<80x128xf32, #tpu.memory_space<vmem>>, vector<1x16xf32>,
      %get3A_193 = arith.index_cast %add3A_164 : i32 to index
      %get3A_194 = arith.constant 32 : index
      %get3A_195 = tpu.vector_load %arg13[%get3A_193, %get3A_194] {strides = array<i32>} : memref<80x64xf32, #tpu.memory_space<vmem>>, vector<1x16xf32>,
      %get3A_196 = vector.shape_cast %get3A_195 : vector<1x16xf32> to vector<16xf32>
      %get3A_197 = arith.index_cast %add3A_164 : i32 to index
      %get3A_198 = arith.constant 32 : index
      %get3A_199 = tpu.vector_load %arg9[%get3A_197, %get3A_198] {strides = array<i32>} : memref<80x128xf32, #tpu.memory_space<vmem>>, vector<1x16xf32>,
      %get3A_200 = vector.shape_cast %get3A_199 : vector<1x16xf32> to vector<16xf32>
      %mul3A_201 = arith.mulf %get3A_196, %get3A_200 : vector<16xf32>
      %swap3A_202 = arith.index_cast %add3A_164 : i32 to index
      %swap3A_203 = arith.constant 32 : index
      %swap3A_204 = tpu.vector_load %arg14[%swap3A_202, %swap3A_203] {strides = array<i32>} : memref<80x128xf32, #tpu.memory_space<vmem>>, vector<1x16xf32>,
      %swap3A_205 = vector.shape_cast %swap3A_204 : vector<1x16xf32> to vector<16xf32>
      %swap3A_206 = vector.shape_cast %mul3A_201 : vector<16xf32> to vector<1x16xf32>
      tpu.vector_store %arg14[%swap3A_202, %swap3A_203], %swap3A_206 {strides = array<i32>} : memref<80x128xf32, #tpu.memory_space<vmem>>, vector<1x16xf32>,
      %get3A_207 = arith.index_cast %add3A_164 : i32 to index
      %get3A_208 = arith.constant 48 : index
      %get3A_209 = tpu.vector_load %arg13[%get3A_207, %get3A_208] {strides = array<i32>} : memref<80x64xf32, #tpu.memory_space<vmem>>, vector<1x16xf32>,
      %get3A_210 = vector.shape_cast %get3A_209 : vector<1x16xf32> to vector<16xf32>
      %get3A_211 = arith.index_cast %add3A_164 : i32 to index
      %get3A_212 = arith.constant 48 : index
      %get3A_213 = tpu.vector_load %arg9[%get3A_211, %get3A_212] {strides = array<i32>} : memref<80x128xf32, #tpu.memory_space<vmem>>, vector<1x16xf32>,
      %get3A_214 = vector.shape_cast %get3A_213 : vector<1x16xf32> to vector<16xf32>
      %mul3A_215 = arith.mulf %get3A_210, %get3A_214 : vector<16xf32>
      %swap3A_216 = arith.index_cast %add3A_164 : i32 to index
      %swap3A_217 = arith.constant 48 : index
      %swap3A_218 = tpu.vector_load %arg14[%swap3A_216, %swap3A_217] {strides = array<i32>} : memref<80x128xf32, #tpu.memory_space<vmem>>, vector<1x16xf32>,
      %swap3A_219 = vector.shape_cast %swap3A_218 : vector<1x16xf32> to vector<16xf32>
      %swap3A_220 = vector.shape_cast %mul3A_215 : vector<16xf32> to vector<1x16xf32>
      tpu.vector_store %arg14[%swap3A_216, %swap3A_217], %swap3A_220 {strides = array<i32>} : memref<80x128xf32, #tpu.memory_space<vmem>>, vector<1x16xf32>,
      %mul3A_221 = arith.constant 4 : i32
      %mul3A_222 = arith.muli %mul3A_221, %scan3A_42 : i32
      %add3A_223 = arith.constant 3 : i32
      %add3A_224 = arith.addi %mul3A_222, %add3A_223 : i32
      %get3A_225 = arith.index_cast %add3A_224 : i32 to index
      %get3A_226 = arith.constant 0 : index
      %get3A_227 = tpu.vector_load %arg13[%get3A_225, %get3A_226] {strides = array<i32>} : memref<80x64xf32, #tpu.memory_space<vmem>>, vector<1x16xf32>,
      %get3A_228 = vector.shape_cast %get3A_227 : vector<1x16xf32> to vector<16xf32>
      %get3A_229 = arith.index_cast %add3A_224 : i32 to index
      %get3A_230 = arith.constant 0 : index
      %get3A_231 = tpu.vector_load %arg9[%get3A_229, %get3A_230] {strides = array<i32>} : memref<80x128xf32, #tpu.memory_space<vmem>>, vector<1x16xf32>,
      %get3A_232 = vector.shape_cast %get3A_231 : vector<1x16xf32> to vector<16xf32>
      %mul3A_233 = arith.mulf %get3A_228, %get3A_232 : vector<16xf32>
      %swap3A_234 = arith.index_cast %add3A_224 : i32 to index
      %swap3A_235 = arith.constant 0 : index
      %swap3A_236 = tpu.vector_load %arg14[%swap3A_234, %swap3A_235] {strides = array<i32>} : memref<80x128xf32, #tpu.memory_space<vmem>>, vector<1x16xf32>,
      %swap3A_237 = vector.shape_cast %swap3A_236 : vector<1x16xf32> to vector<16xf32>
      %swap3A_238 = vector.shape_cast %mul3A_233 : vector<16xf32> to vector<1x16xf32>
      tpu.vector_store %arg14[%swap3A_234, %swap3A_235], %swap3A_238 {strides = array<i32>} : memref<80x128xf32, #tpu.memory_space<vmem>>, vector<1x16xf32>,
      %get3A_239 = arith.index_cast %add3A_224 : i32 to index
      %get3A_240 = arith.constant 16 : index
      %get3A_241 = tpu.vector_load %arg13[%get3A_239, %get3A_240] {strides = array<i32>} : memref<80x64xf32, #tpu.memory_space<vmem>>, vector<1x16xf32>,
      %get3A_242 = vector.shape_cast %get3A_241 : vector<1x16xf32> to vector<16xf32>
      %get3A_243 = arith.index_cast %add3A_224 : i32 to index
      %get3A_244 = arith.constant 16 : index
      %get3A_245 = tpu.vector_load %arg9[%get3A_243, %get3A_244] {strides = array<i32>} : memref<80x128xf32, #tpu.memory_space<vmem>>, vector<1x16xf32>,
      %get3A_246 = vector.shape_cast %get3A_245 : vector<1x16xf32> to vector<16xf32>
      %mul3A_247 = arith.mulf %get3A_242, %get3A_246 : vector<16xf32>
      %swap3A_248 = arith.index_cast %add3A_224 : i32 to index
      %swap3A_249 = arith.constant 16 : index
      %swap3A_250 = tpu.vector_load %arg14[%swap3A_248, %swap3A_249] {strides = array<i32>} : memref<80x128xf32, #tpu.memory_space<vmem>>, vector<1x16xf32>,
      %swap3A_251 = vector.shape_cast %swap3A_250 : vector<1x16xf32> to vector<16xf32>
      %swap3A_252 = vector.shape_cast %mul3A_247 : vector<16xf32> to vector<1x16xf32>
      tpu.vector_store %arg14[%swap3A_248, %swap3A_249], %swap3A_252 {strides = array<i32>} : memref<80x128xf32, #tpu.memory_space<vmem>>, vector<1x16xf32>,
      %get3A_253 = arith.index_cast %add3A_224 : i32 to index
      %get3A_254 = arith.constant 32 : index
      %get3A_255 = tpu.vector_load %arg13[%get3A_253, %get3A_254] {strides = array<i32>} : memref<80x64xf32, #tpu.memory_space<vmem>>, vector<1x16xf32>,
      %get3A_256 = vector.shape_cast %get3A_255 : vector<1x16xf32> to vector<16xf32>
      %get3A_257 = arith.index_cast %add3A_224 : i32 to index
      %get3A_258 = arith.constant 32 : index
      %get3A_259 = tpu.vector_load %arg9[%get3A_257, %get3A_258] {strides = array<i32>} : memref<80x128xf32, #tpu.memory_space<vmem>>, vector<1x16xf32>,
      %get3A_260 = vector.shape_cast %get3A_259 : vector<1x16xf32> to vector<16xf32>
      %mul3A_261 = arith.mulf %get3A_256, %get3A_260 : vector<16xf32>
      %swap3A_262 = arith.index_cast %add3A_224 : i32 to index
      %swap3A_263 = arith.constant 32 : index
      %swap3A_264 = tpu.vector_load %arg14[%swap3A_262, %swap3A_263] {strides = array<i32>} : memref<80x128xf32, #tpu.memory_space<vmem>>, vector<1x16xf32>,
      %swap3A_265 = vector.shape_cast %swap3A_264 : vector<1x16xf32> to vector<16xf32>
      %swap3A_266 = vector.shape_cast %mul3A_261 : vector<16xf32> to vector<1x16xf32>
      tpu.vector_store %arg14[%swap3A_262, %swap3A_263], %swap3A_266 {strides = array<i32>} : memref<80x128xf32, #tpu.memory_space<vmem>>, vector<1x16xf32>,
      %get3A_267 = arith.index_cast %add3A_224 : i32 to index
      %get3A_268 = arith.constant 48 : index
      %get3A_269 = tpu.vector_load %arg13[%get3A_267, %get3A_268] {strides = array<i32>} : memref<80x64xf32, #tpu.memory_space<vmem>>, vector<1x16xf32>,
      %get3A_270 = vector.shape_cast %get3A_269 : vector<1x16xf32> to vector<16xf32>
      %get3A_271 = arith.index_cast %add3A_224 : i32 to index
      %get3A_272 = arith.constant 48 : index
      %get3A_273 = tpu.vector_load %arg9[%get3A_271, %get3A_272] {strides = array<i32>} : memref<80x128xf32, #tpu.memory_space<vmem>>, vector<1x16xf32>,
      %get3A_274 = vector.shape_cast %get3A_273 : vector<1x16xf32> to vector<16xf32>
      %mul3A_275 = arith.mulf %get3A_270, %get3A_274 : vector<16xf32>
      %swap3A_276 = arith.index_cast %add3A_224 : i32 to index
      %swap3A_277 = arith.constant 48 : index
      %swap3A_278 = tpu.vector_load %arg14[%swap3A_276, %swap3A_277] {strides = array<i32>} : memref<80x128xf32, #tpu.memory_space<vmem>>, vector<1x16xf32>,
      %swap3A_279 = vector.shape_cast %swap3A_278 : vector<1x16xf32> to vector<16xf32>
      %swap3A_280 = vector.shape_cast %mul3A_275 : vector<16xf32> to vector<1x16xf32>
      tpu.vector_store %arg14[%swap3A_276, %swap3A_277], %swap3A_280 {strides = array<i32>} : memref<80x128xf32, #tpu.memory_space<vmem>>, vector<1x16xf32>,
    }
    %scan3A_34 = arith.constant 20 : i32
    "tpu.region"() ({
      %run_scoped3A = tpu.sem_alloc : memref<!tpu.dma_semaphore, #tpu.memory_space<semaphore_mem>>
      %dma_start3A_42 = arith.constant 0 : i32
      %dma_start3A_43 = arith.constant 0 : i32
      %dma_start3A_44 = tpu.memref_slice %arg17[%dma_start3A_42, %dma_start3A_43] : memref<10000x128xf32, #tpu.memory_space<vmem_shared>> -> memref<10000x128xf32, #tpu.memory_space<vmem_shared>>
      tpu.enqueue_indirect_dma source(%arg14 : memref<80x128xf32, #tpu.memory_space<vmem>>) target(%dma_start3A_44 : memref<10000x128xf32, #tpu.memory_space<vmem_shared>>) offsets(%arg8 : memref<80xi32, #tpu.memory_space<vmem>>) semaphore(%run_scoped3A : memref<!tpu.dma_semaphore, #tpu.memory_space<semaphore_mem>>) {add = true}
      %dma_wait3A_45 = arith.constant 0 : i32
      %dma_wait3A_46 = arith.constant 0 : i32
      %dma_wait3A_47 = tpu.memref_slice %arg17[%dma_wait3A_45, %dma_wait3A_46] : memref<10000x128xf32, #tpu.memory_space<vmem_shared>> -> memref<10000x128xf32, #tpu.memory_space<vmem_shared>>
      tpu.wait_indirect_dma semaphore(%run_scoped3A : memref<!tpu.dma_semaphore, #tpu.memory_space<semaphore_mem>>) src(%arg14 : memref<80x128xf32, #tpu.memory_space<vmem>>) dst(%dma_wait3A_47 : memref<10000x128xf32, #tpu.memory_space<vmem_shared>>)
      tpu.yield
    }) : () -> ()
    %barrier3A_35 = arith.constant 0 : index
    tpu.barrier barrier_id(%barrier3A_35)
    %scan3A_36 = arith.constant 0 : i32
    %scan3A_37 = arith.constant 0 : i32
    %scan3A_38 = arith.constant 8 : i32
    %scan3A_39 = arith.addi %scan3A_37, %scan3A_38 : i32
    %scan3A_40 = arith.constant 1 : i32
    scf.for %scan3A_42 = %scan3A_37 to %scan3A_39 step %scan3A_40  : i32 {
      %mul3A_43 = arith.constant 16 : i32
      %mul3A_44 = arith.muli %mul3A_43, %scan3A_42 : i32
      %add3A_45 = arith.addi %arg1, %mul3A_44 : i32
      %rem3A = arith.constant 125 : i32
      %rem3A_46 = arith.remsi %add3A_45, %rem3A : i32
      %mul3A_47 = arith.constant 80 : i32
      %mul3A_48 = arith.muli %rem3A_46, %mul3A_47 : i32
      "tpu.region"() ({
        %run_scoped3A = tpu.sem_alloc : memref<!tpu.dma_semaphore, #tpu.memory_space<semaphore_mem>>
        %dma_start3A_49 = arith.constant 0 : i32
        %dma_start3A_50 = tpu.memref_slice %arg17[%mul3A_48, %dma_start3A_49] : memref<10000x128xf32, #tpu.memory_space<vmem_shared>> -> memref<80x128xf32, #tpu.memory_space<vmem_shared>>
        %dma_start3A_51 = arith.constant 0 : i32
        %dma_start3A_52 = tpu.memref_slice %arg17[%mul3A_48, %dma_start3A_51] : memref<10000x128xf32, #tpu.memory_space<vmem_shared>> -> memref<80x128xf32, #tpu.memory_space<vmem_shared>>
        tpu.enqueue_dma source(%dma_start3A_52 : memref<80x128xf32, #tpu.memory_space<vmem_shared>>) target(%arg14 : memref<80x128xf32, #tpu.memory_space<vmem>>) target_semaphore(%run_scoped3A : memref<!tpu.dma_semaphore, #tpu.memory_space<semaphore_mem>>)
        %dma_wait3A_53 = arith.constant 0 : i32
        %dma_wait3A_54 = tpu.memref_slice %arg17[%mul3A_48, %dma_wait3A_53] : memref<10000x128xf32, #tpu.memory_space<vmem_shared>> -> memref<80x128xf32, #tpu.memory_space<vmem_shared>>
        %dma_wait3A_55 = arith.constant 0 : i32
        %dma_wait3A_56 = tpu.memref_slice %arg17[%mul3A_48, %dma_wait3A_55] : memref<10000x128xf32, #tpu.memory_space<vmem_shared>> -> memref<80x128xf32, #tpu.memory_space<vmem_shared>>
        tpu.wait_dma2 semaphore(%run_scoped3A : memref<!tpu.dma_semaphore, #tpu.memory_space<semaphore_mem>>) src(%dma_wait3A_56 : memref<80x128xf32, #tpu.memory_space<vmem_shared>>) dst(%arg14 : memref<80x128xf32, #tpu.memory_space<vmem>>)
        tpu.yield
      }) : () -> ()
      "tpu.region"() ({
        %run_scoped3A = tpu.sem_alloc : memref<!tpu.dma_semaphore, #tpu.memory_space<semaphore_mem>>
        %dma_start3A_49 = arith.constant 0 : i32
        %dma_start3A_50 = tpu.memref_slice %arg6[%arg0, %mul3A_48, %dma_start3A_49] : memref<2x10000x128xf32, #tpu.memory_space<hbm>> -> memref<1x80x128xf32, #tpu.memory_space<hbm>>
        %dma_start3A_51 = tpu.memref_squeeze %dma_start3A_50 : memref<1x80x128xf32, #tpu.memory_space<hbm>> -> memref<80x128xf32, #tpu.memory_space<hbm>>
        %dma_start3A_52 = arith.constant 0 : i32
        %dma_start3A_53 = tpu.memref_slice %arg6[%arg0, %mul3A_48, %dma_start3A_52] : memref<2x10000x128xf32, #tpu.memory_space<hbm>> -> memref<1x80x128xf32, #tpu.memory_space<hbm>>
        %dma_start3A_54 = tpu.memref_squeeze %dma_start3A_53 : memref<1x80x128xf32, #tpu.memory_space<hbm>> -> memref<80x128xf32, #tpu.memory_space<hbm>>
        tpu.enqueue_dma source(%arg14 : memref<80x128xf32, #tpu.memory_space<vmem>>) target(%dma_start3A_54 : memref<80x128xf32, #tpu.memory_space<hbm>>) target_semaphore(%run_scoped3A : memref<!tpu.dma_semaphore, #tpu.memory_space<semaphore_mem>>)
        %dma_wait3A_55 = arith.constant 0 : i32
        %dma_wait3A_56 = tpu.memref_slice %arg6[%arg0, %mul3A_48, %dma_wait3A_55] : memref<2x10000x128xf32, #tpu.memory_space<hbm>> -> memref<1x80x128xf32, #tpu.memory_space<hbm>>
        %dma_wait3A_57 = tpu.memref_squeeze %dma_wait3A_56 : memref<1x80x128xf32, #tpu.memory_space<hbm>> -> memref<80x128xf32, #tpu.memory_space<hbm>>
        %dma_wait3A_58 = arith.constant 0 : i32
        %dma_wait3A_59 = tpu.memref_slice %arg6[%arg0, %mul3A_48, %dma_wait3A_58] : memref<2x10000x128xf32, #tpu.memory_space<hbm>> -> memref<1x80x128xf32, #tpu.memory_space<hbm>>
        %dma_wait3A_60 = tpu.memref_squeeze %dma_wait3A_59 : memref<1x80x128xf32, #tpu.memory_space<hbm>> -> memref<80x128xf32, #tpu.memory_space<hbm>>
        tpu.wait_dma2 semaphore(%run_scoped3A : memref<!tpu.dma_semaphore, #tpu.memory_space<semaphore_mem>>) src(%arg14 : memref<80x128xf32, #tpu.memory_space<vmem>>) dst(%dma_wait3A_60 : memref<80x128xf32, #tpu.memory_space<hbm>>)
        tpu.yield
      }) : () -> ()
    }
    %scan3A_41 = arith.constant 8 : i32
    return
  }
}

module attributes {stable_mosaic.version = 14 : i64} {
  func.func @_hv_body(%arg0: memref<10000x128xf32, #tpu.memory_space<vmem>>, %arg1: memref<128x64xf32, #tpu.memory_space<vmem>>, %arg2: memref<1x64xf32, #tpu.memory_space<vmem>>, %arg3: memref<10000x128xf32, #tpu.memory_space<vmem>>) attributes {dimension_semantics = [], scalar_prefetch = 0 : i64, scratch_operands = 0 : i64, tpu.core_type = #tpu.core_type<tc>} {
    %get3A = arith.constant 0 : index
    %get3A_0 = arith.constant 0 : index
    %get3A_1 = vector.load %arg0[%get3A, %get3A_0] : memref<10000x128xf32, #tpu.memory_space<vmem>>, vector<10000x128xf32>
    %get3A_2 = arith.constant 0 : index
    %get3A_3 = arith.constant 0 : index
    %get3A_4 = vector.load %arg1[%get3A_2, %get3A_3] : memref<128x64xf32, #tpu.memory_space<vmem>>, vector<128x64xf32>
    %dot_general3A = arith.constant dense<0.000000e+00> : vector<10000x64xf32>
    %dot_general3A_5 = tpu.matmul %get3A_1, %get3A_4, %dot_general3A {dimension_numbers = #tpu.dot_dimension_numbers<[1], [0], [0], [1], [0, 0, 1, 1], [], []>, transpose_lhs_hint = false} : vector<10000x128xf32>, vector<128x64xf32>, vector<10000x64xf32> -> vector<10000x64xf32>
    %get3A_6 = arith.constant 0 : index
    %get3A_7 = arith.constant 0 : index
    %get3A_8 = vector.load %arg2[%get3A_6, %get3A_7] : memref<1x64xf32, #tpu.memory_space<vmem>>, vector<1x64xf32>
    %add3A = vector.broadcast %get3A_8 : vector<1x64xf32> to vector<10000x64xf32>
    %add3A_9 = arith.addf %dot_general3A_5, %add3A : vector<10000x64xf32>
    %broadcast_in_dim3A = arith.constant 0.000000e+00 : f32
    %broadcast_in_dim3A_10 = vector.broadcast %broadcast_in_dim3A : f32 to vector<10000x64xf32>
    %concatenate3A = tpu.concatenate %add3A_9, %broadcast_in_dim3A_10 in 1 : vector<10000x64xf32>, vector<10000x64xf32> -> vector<10000x128xf32>
    %swap3A = arith.constant 0 : index
    %swap3A_11 = arith.constant 0 : index
    %swap3A_12 = vector.load %arg3[%swap3A, %swap3A_11] : memref<10000x128xf32, #tpu.memory_space<vmem>>, vector<10000x128xf32>
    tpu.vector_store %arg3[%swap3A, %swap3A_11], %concatenate3A {strides = array<i32>} : memref<10000x128xf32, #tpu.memory_space<vmem>>, vector<10000x128xf32>,
    return
  }
}

module attributes {stable_mosaic.version = 14 : i64} {
  func.func @_he_body(%arg0: i32, %arg1: memref<8000x16xf32, #tpu.memory_space<vmem>>, %arg2: memref<16x64xf32, #tpu.memory_space<vmem>>, %arg3: memref<1x64xf32, #tpu.memory_space<vmem>>, %arg4: memref<64x64xf32, #tpu.memory_space<vmem>>, %arg5: memref<1x64xf32, #tpu.memory_space<vmem>>, %arg6: memref<8000x64xf32, #tpu.memory_space<vmem>>) attributes {dimension_semantics = [#tpu.dimension_semantics<arbitrary>], iteration_bounds = array<i64: 40>, scalar_prefetch = 0 : i64, scratch_operands = 0 : i64, tpu.core_type = #tpu.core_type<tc>, window_params = [{transform_indices = @transform_0, window_bounds = array<i64: 8000, 16>}, {pipeline_mode = #tpu.pipeline_mode<synchronous>, transform_indices = @transform_1, window_bounds = array<i64: 16, 64>}, {pipeline_mode = #tpu.pipeline_mode<synchronous>, transform_indices = @transform_2, window_bounds = array<i64: 1, 64>}, {pipeline_mode = #tpu.pipeline_mode<synchronous>, transform_indices = @transform_3, window_bounds = array<i64: 64, 64>}, {pipeline_mode = #tpu.pipeline_mode<synchronous>, transform_indices = @transform_4, window_bounds = array<i64: 1, 64>}, {transform_indices = @transform_5, window_bounds = array<i64: 8000, 64>}]} {
    %get3A = arith.constant 0 : index
    %get3A_0 = arith.constant 0 : index
    %get3A_1 = vector.load %arg1[%get3A, %get3A_0] : memref<8000x16xf32, #tpu.memory_space<vmem>>, vector<8000x16xf32>
    %get3A_2 = arith.constant 0 : index
    %get3A_3 = arith.constant 0 : index
    %get3A_4 = vector.load %arg2[%get3A_2, %get3A_3] : memref<16x64xf32, #tpu.memory_space<vmem>>, vector<16x64xf32>
    %dot_general3A = arith.constant dense<0.000000e+00> : vector<8000x64xf32>
    %dot_general3A_5 = tpu.matmul %get3A_1, %get3A_4, %dot_general3A {dimension_numbers = #tpu.dot_dimension_numbers<[1], [0], [0], [1], [0, 0, 1, 1], [], []>, transpose_lhs_hint = false} : vector<8000x16xf32>, vector<16x64xf32>, vector<8000x64xf32> -> vector<8000x64xf32>
    %get3A_6 = arith.constant 0 : index
    %get3A_7 = arith.constant 0 : index
    %get3A_8 = vector.load %arg3[%get3A_6, %get3A_7] : memref<1x64xf32, #tpu.memory_space<vmem>>, vector<1x64xf32>
    %add3A = vector.broadcast %get3A_8 : vector<1x64xf32> to vector<8000x64xf32>
    %add3A_9 = arith.addf %dot_general3A_5, %add3A : vector<8000x64xf32>
    %max3A = arith.constant 0.000000e+00 : f32
    %max3A_10 = vector.broadcast %max3A : f32 to vector<8000x64xf32>
    %max3A_11 = arith.maximumf %add3A_9, %max3A_10 : vector<8000x64xf32>
    %abs3A = math.absf %add3A_9 : vector<8000x64xf32>
    %neg3A = arith.constant 0.000000e+00 : f32
    %neg3A_12 = vector.broadcast %neg3A : f32 to vector<8000x64xf32>
    %neg3A_13 = arith.subf %neg3A_12, %abs3A : vector<8000x64xf32>
    %exp3A = math.exp %neg3A_13 : vector<8000x64xf32>
    %log1p3A = math.log1p %exp3A : vector<8000x64xf32>
    %add3A_14 = arith.addf %max3A_11, %log1p3A : vector<8000x64xf32>
    %sub3A = arith.constant 0.693147182 : f32
    %sub3A_15 = vector.broadcast %sub3A : f32 to vector<8000x64xf32>
    %sub3A_16 = arith.subf %add3A_14, %sub3A_15 : vector<8000x64xf32>
    %get3A_17 = arith.constant 0 : index
    %get3A_18 = arith.constant 0 : index
    %get3A_19 = vector.load %arg4[%get3A_17, %get3A_18] : memref<64x64xf32, #tpu.memory_space<vmem>>, vector<64x64xf32>
    %dot_general3A_20 = arith.constant dense<0.000000e+00> : vector<8000x64xf32>
    %dot_general3A_21 = tpu.matmul %sub3A_16, %get3A_19, %dot_general3A_20 {dimension_numbers = #tpu.dot_dimension_numbers<[1], [0], [0], [1], [0, 0, 1, 1], [], []>, transpose_lhs_hint = false} : vector<8000x64xf32>, vector<64x64xf32>, vector<8000x64xf32> -> vector<8000x64xf32>
    %get3A_22 = arith.constant 0 : index
    %get3A_23 = arith.constant 0 : index
    %get3A_24 = vector.load %arg5[%get3A_22, %get3A_23] : memref<1x64xf32, #tpu.memory_space<vmem>>, vector<1x64xf32>
    %add3A_25 = vector.broadcast %get3A_24 : vector<1x64xf32> to vector<8000x64xf32>
    %add3A_26 = arith.addf %dot_general3A_21, %add3A_25 : vector<8000x64xf32>
    %max3A_27 = arith.constant 0.000000e+00 : f32
    %max3A_28 = vector.broadcast %max3A_27 : f32 to vector<8000x64xf32>
    %max3A_29 = arith.maximumf %add3A_26, %max3A_28 : vector<8000x64xf32>
    %abs3A_30 = math.absf %add3A_26 : vector<8000x64xf32>
    %neg3A_31 = arith.constant 0.000000e+00 : f32
    %neg3A_32 = vector.broadcast %neg3A_31 : f32 to vector<8000x64xf32>
    %neg3A_33 = arith.subf %neg3A_32, %abs3A_30 : vector<8000x64xf32>
    %exp3A_34 = math.exp %neg3A_33 : vector<8000x64xf32>
    %log1p3A_35 = math.log1p %exp3A_34 : vector<8000x64xf32>
    %add3A_36 = arith.addf %max3A_29, %log1p3A_35 : vector<8000x64xf32>
    %sub3A_37 = arith.constant 0.693147182 : f32
    %sub3A_38 = vector.broadcast %sub3A_37 : f32 to vector<8000x64xf32>
    %sub3A_39 = arith.subf %add3A_36, %sub3A_38 : vector<8000x64xf32>
    %swap3A = arith.constant 0 : index
    %swap3A_40 = arith.constant 0 : index
    %swap3A_41 = vector.load %arg6[%swap3A, %swap3A_40] : memref<8000x64xf32, #tpu.memory_space<vmem>>, vector<8000x64xf32>
    tpu.vector_store %arg6[%swap3A, %swap3A_40], %sub3A_39 {strides = array<i32>} : memref<8000x64xf32, #tpu.memory_space<vmem>>, vector<8000x64xf32>,
    return
  }
  func.func @transform_0(%arg0: i32) -> (i32, i32) {
    %c0_i32 = arith.constant 0 : i32
    %c0_i32_0 = arith.constant 0 : i32
    return %arg0, %c0_i32 : i32, i32
  }
  func.func @transform_1(%arg0: i32) -> (i32, i32) {
    %c0_i32 = arith.constant 0 : i32
    %c0_i32_0 = arith.constant 0 : i32
    %c0_i32_1 = arith.constant 0 : i32
    return %c0_i32, %c0_i32_0 : i32, i32
  }
  func.func @transform_2(%arg0: i32) -> (i32, i32) {
    %c0_i32 = arith.constant 0 : i32
    %c0_i32_0 = arith.constant 0 : i32
    %c0_i32_1 = arith.constant 0 : i32
    return %c0_i32, %c0_i32_0 : i32, i32
  }
  func.func @transform_3(%arg0: i32) -> (i32, i32) {
    %c0_i32 = arith.constant 0 : i32
    %c0_i32_0 = arith.constant 0 : i32
    %c0_i32_1 = arith.constant 0 : i32
    return %c0_i32, %c0_i32_0 : i32, i32
  }
  func.func @transform_4(%arg0: i32) -> (i32, i32) {
    %c0_i32 = arith.constant 0 : i32
    %c0_i32_0 = arith.constant 0 : i32
    %c0_i32_1 = arith.constant 0 : i32
    return %c0_i32, %c0_i32_0 : i32, i32
  }
  func.func @transform_5(%arg0: i32) -> (i32, i32) {
    %c0_i32 = arith.constant 0 : i32
    %c0_i32_0 = arith.constant 0 : i32
    return %arg0, %c0_i32 : i32, i32
  }
}

module attributes {stable_mosaic.version = 14 : i64} {
  func.func @_out_body(%arg0: memref<2x10000x128xf32, #tpu.memory_space<vmem>>, %arg1: memref<64x128xf32, #tpu.memory_space<vmem>>, %arg2: memref<1x128xf32, #tpu.memory_space<vmem>>, %arg3: memref<10000x128xf32, #tpu.memory_space<vmem>>) attributes {dimension_semantics = [], scalar_prefetch = 0 : i64, scratch_operands = 0 : i64, tpu.core_type = #tpu.core_type<tc>} {
    %get3A = arith.constant 0 : index
    %get3A_0 = arith.constant 0 : index
    %get3A_1 = arith.constant 0 : index
    %get3A_2 = vector.load %arg0[%get3A, %get3A_0, %get3A_1] : memref<2x10000x128xf32, #tpu.memory_space<vmem>>, vector<1x10000x64xf32>
    %get3A_3 = vector.shape_cast %get3A_2 : vector<1x10000x64xf32> to vector<10000x64xf32>
    %get3A_4 = arith.constant 1 : index
    %get3A_5 = arith.constant 0 : index
    %get3A_6 = arith.constant 0 : index
    %get3A_7 = vector.load %arg0[%get3A_4, %get3A_5, %get3A_6] : memref<2x10000x128xf32, #tpu.memory_space<vmem>>, vector<1x10000x64xf32>
    %get3A_8 = vector.shape_cast %get3A_7 : vector<1x10000x64xf32> to vector<10000x64xf32>
    %add3A = arith.addf %get3A_3, %get3A_8 : vector<10000x64xf32>
    %get3A_9 = arith.constant 0 : index
    %get3A_10 = arith.constant 0 : index
    %get3A_11 = vector.load %arg1[%get3A_9, %get3A_10] : memref<64x128xf32, #tpu.memory_space<vmem>>, vector<64x128xf32>
    %dot_general3A = arith.constant dense<0.000000e+00> : vector<10000x128xf32>
    %dot_general3A_12 = tpu.matmul %add3A, %get3A_11, %dot_general3A {dimension_numbers = #tpu.dot_dimension_numbers<[1], [0], [0], [1], [0, 0, 1, 1], [], []>, transpose_lhs_hint = false} : vector<10000x64xf32>, vector<64x128xf32>, vector<10000x128xf32> -> vector<10000x128xf32>
    %get3A_13 = arith.constant 0 : index
    %get3A_14 = arith.constant 0 : index
    %get3A_15 = vector.load %arg2[%get3A_13, %get3A_14] : memref<1x128xf32, #tpu.memory_space<vmem>>, vector<1x128xf32>
    %add3A_16 = vector.broadcast %get3A_15 : vector<1x128xf32> to vector<10000x128xf32>
    %add3A_17 = arith.addf %dot_general3A_12, %add3A_16 : vector<10000x128xf32>
    %max3A = arith.constant 0.000000e+00 : f32
    %max3A_18 = vector.broadcast %max3A : f32 to vector<10000x128xf32>
    %max3A_19 = arith.maximumf %add3A_17, %max3A_18 : vector<10000x128xf32>
    %abs3A = math.absf %add3A_17 : vector<10000x128xf32>
    %neg3A = arith.constant 0.000000e+00 : f32
    %neg3A_20 = vector.broadcast %neg3A : f32 to vector<10000x128xf32>
    %neg3A_21 = arith.subf %neg3A_20, %abs3A : vector<10000x128xf32>
    %exp3A = math.exp %neg3A_21 : vector<10000x128xf32>
    %log1p3A = math.log1p %exp3A : vector<10000x128xf32>
    %add3A_22 = arith.addf %max3A_19, %log1p3A : vector<10000x128xf32>
    %sub3A = arith.constant 0.693147182 : f32
    %sub3A_23 = vector.broadcast %sub3A : f32 to vector<10000x128xf32>
    %sub3A_24 = arith.subf %add3A_22, %sub3A_23 : vector<10000x128xf32>
    %swap3A = arith.constant 0 : index
    %swap3A_25 = arith.constant 0 : index
    %swap3A_26 = vector.load %arg3[%swap3A, %swap3A_25] : memref<10000x128xf32, #tpu.memory_space<vmem>>, vector<10000x128xf32>
    tpu.vector_store %arg3[%swap3A, %swap3A_25], %sub3A_24 {strides = array<i32>} : memref<10000x128xf32, #tpu.memory_space<vmem>>, vector<10000x128xf32>,
    return
  }
}

</mosaic_0001>

<sc_bundles>
// kernel: kernel.6.cloned.1.call-start
scs
__scs_entry_jumppad:
0x0: {  	(pc) =	sbr.rel $0x88, $3  }
0x1: {  	(tag) =	ssettag $0x0;
	lr =	simm.s32 $0x1  }
0x2: {  	[smem:$0x3F96] =	sst lr;
	_ =	strace $0xD0000000  }
0x3: {  	_ = 	snop  }
0x4: {  	_ = 	snop  }
0x5: {  	_ = 	snop  }
0x6: {  	_ = 	snop  }
0x7: {  	_ = 	snop  }
__scs_overlays_trampoline_lowered:
0x8: {  	[smem:$0x3FA5] =	sst s0  }
0x9: {  	[smem:$0x3FA6] =	sst s1  }
0xa: {  	[smem:$0x3FA7] =	sst s2  }
0xb: {  	[smem:$0x3FA8] =	sst s3  }
0xc: {  	[smem:$0x3FA9] =	sst s4  }
0xd: {  	[smem:$0x3FAA] =	sst s5  }
0xe: {  	[smem:$0x3FAB] =	sst s6  }
0xf: {  	[smem:$0x3FAC] =	sst s7  }
0x10: {  	[smem:$0x3FAD] =	sst s8  }
0x11: {  	[smem:$0x3FAE] =	sst s9;
	s0 =	simm.s32 @!p0 $0x0  }
0x12: {  	s1 =	sld [smem:$0x3F94];
	s0 =	simm.s32 @p0 $0x1  }
0x13: {  	[smem:$0x3FAF] =	sst s0;
	s0 =	simm.s32 @!p1 $0x0  }
0x14: {  	s2 =	sld [smem:$0x3F93];
	s0 =	simm.s32 @p1 $0x1  }
0x15: {  	[smem:$0x3FB0] =	sst s0;
	s0 =	simm.s32 @!p2 $0x0  }
0x16: {  	s3 =	sld [smem:$0x3FDB];
	s0 =	simm.s32 @p2 $0x1  }
0x17: {  	s4 =	simm.s32 $0x1BF5;
	[smem:$0x3FB2] =	sst s0  }
0x18: {  	s0 =	sld [smem:$0x3F95];
	_ =	swait.ge [sflag:s4], $0x0  }
0x19: {  	s7 =	sld [smem:$0x3F96]  }
0x1a: {  	s8 =	sadd.s32 $0xFFFFE003, lr  }
0x1b: {  	s9 =	sadd.s32 $0xFFFFFEF7, lr;
	s5 =	simm.s32 $0xFFFFFFFF;
	p2 =	slt.u32 s8, $0xFFFFF086  }
0x1c: {  	p1 =	slt.u32 s9, $0xF7A;
	s5 =	simm.s32 @!p2 $0x0  }
0x1d: {  	s5 =	simm.s32 @p1 $0x1;
	p0 =	seq.s32 s7, s2  }
0x1e: {  	s7 =	smul.u32 @!p0 $0xF7A, s2;
	p2 =	seq.s32 @!p0 s5, $0x0  }
0x1f: {  	s9 =	smul.u32 $0xF7A, s1;
	s8 =	simm.s32 @!p0 $0x1BF5;
	p2 =	por !p2, p0  }
0x20: {  	[sflag:s8] =	ssyncset.s32 @!p0 $0xFFFFF086;
	s6 =	sadd.s32 @!p0 s3, s7;
	s7 =	simm.s32 @!p0 $0x108  }
0x21: {  	s3 =	sadd.s32 s3, s9;
	s6 =	sadd.s32 @!p0 $0x88, s6;
	s7 =	simm.s32 @p2 $0x1082  }
0x22: {  	[simem:s7], [sflag:s8] =	dma.local @!p0 [hbm:s6], $0xF7A  }
0x23: {  	s9 =	sor.u32 $0xD0000000, s2;
	s6 =	simm.s32 $0x108;
	_ =	swait.ge @!p0 [sflag:s8], $0x0  }
0x24: {  	s3 =	sadd.s32 $0x88, s3;
	s6 =	simm.s32 @!p1 $0x1082;
	[sflag:s4] =	ssyncset.s32 $0xFFFFF086  }
0x25: {  	[simem:s6], [sflag:s4] =	dma.local [hbm:s3], $0xF7A  }
0x26: {  	[smem:$0x3F96] =	sst s1;
	(tag) =	ssettag s2;
	_ =	strace s9  }
0x27: {  	s1 =	sld [smem:$0x3FA6]  }
0x28: {  	s2 =	sld [smem:$0x3FA7]  }
0x29: {  	s4 =	sld [smem:$0x3FA9]  }
0x2a: {  	p0 =	seq.s32 s5, $0x0;
	s5 =	sld [smem:$0x3FAA]  }
0x2b: {  	s6 =	sld [smem:$0x3FAB]  }
0x2c: {  	s7 =	sld [smem:$0x3FAC]  }
0x2d: {  	s3 =	simm.s32 $0x108;
	s8 =	sld [smem:$0x3FAD]  }
0x2e: {  	s3 =	simm.s32 @!p0 $0x1082;
	s9 =	sld [smem:$0x3FAE]  }
0x2f: {  	lr =	sadd.s32 s0, s3;
	s0 =	sld [smem:$0x3FA5]  }
0x30: {  	s3 =	sld [smem:$0x3FA8]  }
0x31: {  	[smem:$0x3FB1] =	sst s10  }
0x32: {  	s10 =	sld [smem:$0x3FAF];
	_ =	sdelay $0x3  }
0x33: {  	p0 =	seq.s32 s10, $0x1;
	s10 =	sld [smem:$0x3FB1];
	_ =	sdelay $0x3  }
0x34: {  	[smem:$0x3FB1] =	sst s10  }
0x35: {  	s10 =	sld [smem:$0x3FB0];
	_ =	sdelay $0x3  }
0x36: {  	p1 =	seq.s32 s10, $0x1;
	s10 =	sld [smem:$0x3FB1];
	_ =	sdelay $0x3  }
0x37: {  	[smem:$0x3FB1] =	sst s10  }
0x38: {  	s10 =	sld [smem:$0x3FB2]  }
0x39: {  	_ = 	snop;
	(pc) =	sbr.ind lr, $3  }
0x3a: {  	_ = 	snop  }
0x3b: {  	_ = 	snop  }
0x3c: {  	p2 =	seq.s32 s10, $0x1;
	s10 =	sld [smem:$0x3FB1]  }
0x3d: {  	_ =	shalt  }
0x3e: {  	_ =	shalt  }
0x3f: {  	_ =	shalt  }
0x40: {  	_ =	shalt  }
0x41: {  	_ =	shalt  }
0x42: {  	_ =	shalt  }
0x43: {  	_ =	shalt  }
0x44: {  	_ =	shalt  }
0x45: {  	_ =	shalt  }
0x46: {  	_ =	shalt  }
0x47: {  	_ =	shalt  }
0x48: {  	_ =	shalt  }
0x49: {  	_ =	shalt  }
0x4a: {  	_ =	shalt  }
0x4b: {  	_ =	shalt  }
0x4c: {  	_ =	shalt  }
0x4d: {  	_ =	shalt  }
0x4e: {  	_ =	shalt  }
0x4f: {  	_ =	shalt  }
0x50: {  	_ =	shalt  }
0x51: {  	_ =	shalt  }
0x52: {  	_ =	shalt  }
0x53: {  	_ =	shalt  }
0x54: {  	_ =	shalt  }
0x55: {  	_ =	shalt  }
0x56: {  	_ =	shalt  }
0x57: {  	_ =	shalt  }
0x58: {  	_ =	shalt  }
0x59: {  	_ =	shalt  }
0x5a: {  	_ =	shalt  }
0x5b: {  	_ =	shalt  }
0x5c: {  	_ =	shalt  }
0x5d: {  	_ =	shalt  }
0x5e: {  	_ =	shalt  }
0x5f: {  	_ =	shalt  }
0x60: {  	_ =	shalt  }
0x61: {  	_ =	shalt  }
0x62: {  	_ =	shalt  }
0x63: {  	_ =	shalt  }
0x64: {  	_ =	shalt  }
0x65: {  	_ =	shalt  }
0x66: {  	_ =	shalt  }
0x67: {  	_ =	shalt  }
0x68: {  	_ =	shalt  }
0x69: {  	_ =	shalt  }
0x6a: {  	_ =	shalt  }
0x6b: {  	_ =	shalt  }
0x6c: {  	_ =	shalt  }
0x6d: {  	_ =	shalt  }
0x6e: {  	_ =	shalt  }
0x6f: {  	_ =	shalt  }
0x70: {  	_ =	shalt  }
0x71: {  	_ =	shalt  }
0x72: {  	_ =	shalt  }
0x73: {  	_ =	shalt  }
0x74: {  	_ =	shalt  }
0x75: {  	_ =	shalt  }
0x76: {  	_ =	shalt  }
0x77: {  	_ =	shalt  }
0x78: {  	_ =	shalt  }
0x79: {  	_ =	shalt  }
0x7a: {  	_ =	shalt  }
0x7b: {  	_ =	shalt  }
0x7c: {  	_ =	shalt  }
0x7d: {  	_ =	shalt  }
0x7e: {  	_ =	shalt  }
0x7f: {  	_ =	shalt  }
0x80: {  	_ =	shalt  }
0x81: {  	_ =	shalt  }
0x82: {  	_ =	shalt  }
0x83: {  	_ =	shalt  }
0x84: {  	_ =	shalt  }
0x85: {  	_ =	shalt  }
0x86: {  	_ =	shalt  }
0x87: {  	_ =	shalt  }
.Lfunc_end0:
.L_simem_size_0:
called_computation_lowered:
.L_overlay_start_0:
0x88: {  	s2 =	sld [smem:$0x3FD9]  }
0x89: {  	s3 =	sld [smem:$0x3FFE];
	_ =	sdelay $0x1  }
0x8a: {  	s1 =	srdreg.scid  }
0x8b: {  	s0 =	sand.u32 $0x1, s1  }
0x8c: {  	s14 =	sshll.u32 s0, $0xA;
	s2 =	sadd.s32 s3, s2  }
0x8d: {  	s2 =	sadd.s32 s2, s14  }
0x8e: {  	[smem:$0x3FBD] =	sst s2  }
0x8f: {  	_ = 	snop  }
0x90: {  	s2 =	sld [smem:$0x3FD0];
	_ =	sdelay $0x2  }
0x91: {  	s15 =	simm.s32 $0xA;
	s4 =	simm.s32 $0x10  }
0x92: {  	[smem:s4], [sflag:s15] =	dma.local [hbm:s2], $0x1  }
0x93: {  	_ =	swait.eq [sflag:s15], $0x1  }
0x94: {  	[sflag:s15] =	ssyncset.done $0x0  }
0x95: {  	[sflag:s15] =	ssyncadd.s32 $0xFFFFFFFF  }
0x96: {  	s16 =	sld [smem:$0x10];
	(tm) =	ssettm $0x1  }
0x97: {  	s17 =	sld [smem:$0x3FFB];
	_ =	sdelay $0x3  }
0x98: {  	_ =	strace s17  }
0x99: {  	s3 =	sld [smem:$0x3FFC];
	_ =	sdelay $0x3  }
0x9a: {  	_ =	strace s3  }
0x9b: {  	s3 =	sld [smem:$0x3FFD];
	_ =	sdelay $0x3  }
0x9c: {  	_ =	strace s3  }
0x9d: {  	_ =	strace $0x8FFFFFFF  }
0x9e: {  	s18 =	sld [smem:$0x3FDB];
	_ =	sdelay $0x1  }
0x9f: {  	s19 =	simm.s32 $_scs_section_size  }
0xa0: {  	s5 =	simm.s32 $_size__tile_overlayer_lowered;
	s6 =	simm.s32 $_tile_overlayer_lowered  }
0xa1: {  	s22 =	simm.s32 $0x1BFF;
	s21 =	sshll.u32 s6, $0x1;
	s3 =	sadd.s32 s19, s18  }
0xa2: {  	s7 =	simm.s32 $0x0;
	s20 =	sshll.u32 s5, $0x1;
	s5 =	sadd.s32 s21, s3  }
0xa3: {  	[timem:s7], [sflag:s22] =	dma.local [hbm:s5], s20  }
0xa4: {  	_ =	swait.ge [sflag:s22], s20  }
0xa5: {  	s4 =	ssub.s32 $0x0, s20;
	[sflag:s22] =	ssyncset.done $0x0  }
0xa6: {  	[sflag:s22] =	ssyncadd.s32 s4;
	_ =	sdelay $0x1  }
0xa7: {  	s23 =	simm.s32 $0x1B8B  }
0xa8: {  	_ =	swait.ge [sflag:s23], $0x1  }
0xa9: {  	[sflag:s23] =	ssyncset.done $0x0  }
0xaa: {  	s25 =	simm.s32 $0x1B8E;
	s24 =	sld [smem:$0x3FFE];
	[sflag:s23] =	ssyncadd.s32 $0xFFFFFFFF  }
0xab: {  	s26 =	simm.s32 $execute0_lowered;
	[smem:$0x3FD2] =	sst s25  }
0xac: {  	s5 =	sshll.u32 s26, $0x1;
	_ =	strace $0x80000046;
	[dreg:$0x1] =	wrdreg $0xFFFFFFFF  }
0xad: {  	s28 =	simm.s32 $_size_execute0_lowered;
	s3 =	sadd.s32 s3, s5;
	[dreg:$0x0] =	wrdreg $0x0  }
0xae: {  	s5 =	sshll.u32 s28, $0x1;
	[dreg:$0x2] =	wrdreg s3  }
0xaf: {  	[dreg:$0x3] =	wrdreg s5  }
0xb0: {  	[dreg:$0x4] =	wrdreg $0xC0  }
0xb1: {  	_ =	task [dreg:s7], $0x5FFFF  }
0xb2: {  	[dreg:$0x1] =	wrdreg $0xFFFFFFFF  }
0xb3: {  	[dreg:$0x0] =	wrdreg $0x60  }
0xb4: {  	[dreg:$0x2] =	wrdreg s16  }
0xb5: {  	[dreg:$0x3] =	wrdreg s24  }
0xb6: {  	[dreg:$0x4] =	wrdreg $0xA2000  }
0xb7: {  	[dreg:$0x5] =	wrdreg $0x9  }
0xb8: {  	_ =	task.clear_ibuf [dreg:s7], $0x6FFFF;
	_ =	strace $0x90000046  }
0xb9: {  	s29 =	simm.s32 $0x9;
	_ =	strace $0x80000048  }
0xba: {  	_ =	swait.ge [sflag:s29], $0x1  }
0xbb: {  	[sflag:s29] =	ssyncadd.s32 $0xFFFFFFFF  }
0xbc: {  	_ =	strace $0x90000048  }
0xbd: {  	_ =	sfence  }
0xbe: {  	s30 =	sld [smem:$0x0];
	_ =	sdelay $0x2  }
0xbf: {  	s31 =	sshll.u32 s1, $0xD;
	s1 =	sshrl.u32 s1, $0x2  }
0xc0: {  	s3 =	sand.u32 $0x4000, s31;
	s1 =	sadd.s32 s1, s30  }
0xc1: {  	s0 =	sor.u32 s3, s0;
	s1 =	sshll.u32 s1, $0x11  }
0xc2: {  	s0 =	sor.u32 s1, s0  }
0xc3: {  	s0 =	sadd.s32 $0x8F2B, s0  }
0xc4: {  	[sflag:s0] =	ssyncadd.remote.s32 $0x1  }
0xc5: {  	_ =	sfence.sel $0xFFFF  }
0xc6: {  	[dreg:$0x0] =	wrdreg $0xFFFFFFFF;
	(pc) =	sbr.abs _section_cstart, $3  }
0xc7: {  	[dreg:$0x1] =	wrdreg $0xFFFFFFFF  }
0xc8: {  	_ =	task.clear_ibuf [dreg:s7], $0x2FFFF;
	_ =	strace $0x9FFFFFFF  }
0xc9: {  	(tm) =	ssettm $0x7FFFFFFF  }
tec
execute0_lowered:
.L_overlay_start_1:
0x0: {  	(tag) =	ssettag $0x1  }
0x1: {  	s1 =	rddreg [dreg:$0x0]  }
0x2: {  	s0 =	rddreg [dreg:$0x1]  }
0x3: {  	s3 =	rddreg [dreg:$0x2];
	s4 =	simm.s32 $0x0;
	s2 =	srdreg.scid  }
0x4: {  	s13 =	stileid.u32;
	s18 =	simm.s32 $0x7A00;
	s19 =	simm.s32 $0x3  }
0x5: {  	s20 =	simm.s32 $0x80;
	s21 =	simm.s32 $0x50;
	s28 =	simm.s32 $0x1  }
0x6: {  	s29 =	simm.s32 $0x2;
	s30 =	simm.s32 $0x0;
	[smem:$0x7FF] =	sst s4  }
0x7: {  	s2 =	sand.u32 $0x1, s2;
	s6 =	sshll.u32 s13, $0x1;
	s25 =	smul.u32 $0xA000, s13  }
0x8: {  	s5 =	sadd.s32 $0x4ED200, s0;
	s8 =	sadd.s32 $0x4F7000, s0;
	s14 =	smul.u32 $0x2800, s13  }
0x9: {  	s10 =	sor.u32 s2, s6;
	s22 =	ssub.s32 $0x2, s2;
	s2 =	smul.u32 $0x138800, s2  }
0xa: {  	s9 =	sadd.s32 $0x1400, s0;
	_ =	strace $0x80000047;
	s7 =	smul.u32 $0x2710, s10  }
0xb: {  	s6 =	sadd.s32 $0x4E3400, s0;
	s11 =	sshrl.u32 s22, $0x1;
	s10 =	smul.u32 $0x138800, s10  }
0xc: {  	s26 =	sshrl.u32 s25, $0x2;
	s25 =	simm.s32 $0x2A00;
	s0 =	ssub.s32 s22, s11  }
0xd: {  	s16 =	sadd.s32 s26, s3;
	s31 =	sadd.s32 s14, s2;
	s22 =	simm.s32 $0x100  }
0xe: {  	s26 =	simm.s32 $0x5200;
	s12 =	sshrl.u32 s7, $0x3;
	[dreg:$0x9] =	wrdreg s31  }
0xf: {  	s10 =	sshrl.u32 s10, $0x3;
	s0 =	smax.u32 s0, $0x1;
	[dreg:$0x8] =	wrdreg s16  }
0x10: {  	s13 =	sadd.s32 $0xA0, s7;
	s23 =	sadd.s32 s5, s12;
	[dreg:$0x7] =	wrdreg s0  }
0x11: {  	s24 =	sadd.s32 s6, s12;
	s10 =	sadd.s32 s8, s10;
	[dreg:$0x4] =	wrdreg s23  }
0x12: {  	s12 =	sadd.s32 $0x50, s7;
	[dreg:$0x5] =	wrdreg s24;
	s10 =	sadd.s32 $0x26C00, s10  }
0x13: {  	v0 =	vimm.f32 $0.0e+00;
	s23 =	simm.s32 $0x2900;
	s24 =	simm.s32 $0x2980;
	[dreg:$0x6] =	wrdreg s10  }
.LBB2_1:
0x14: {  	s0 =	simm.s32 $0x0;
	s2 =	simm.s32 $0x200  }
.LBB2_2:
0x15: {  	p0 =	sne.s32 s2, $0x9E00;
	[tilespmem:s0+$0x7A70] =	vst v0  }
0x16: {  	[tilespmem:s0+$0x7A00] =	vst v0  }
0x17: {  	[tilespmem:s0+$0x7A10] =	vst v0  }
.Ltmp0:
0x18: {  	[tilespmem:s0+$0x7A20] =	vst v0;
	(pc) =	sbr.rel @p0 .LBB2_2-.Ltmp0, $4  }
0x19: {  	[tilespmem:s0+$0x7A30] =	vst v0  }
0x1a: {  	[tilespmem:s0+$0x7A40] =	vst v0  }
0x1b: {  	[tilespmem:s0+$0x7A50] =	vst v0  }
0x1c: {  	[tilespmem:s0+$0x7A60] =	vst v0;
	s0 =	sshra.s32 s2, $0x2;
	s2 =	sadd.s32 $0x200, s2  }
0x1d: {  	[tilespmem:s0+$0x7A70] =	vst v0  }
0x1e: {  	[tilespmem:s0+$0x7A00] =	vst v0;
	s10 =	stileid.u32  }
0x1f: {  	[tilespmem:s0+$0x7A10] =	vst v0;
	s2 =	smulhi.u32 $0x10624DD3, s10  }
0x20: {  	[tilespmem:s0+$0x7A20] =	vst v0;
	s31 =	sadd.s32 $0x10, s10  }
0x21: {  	[tilespmem:s0+$0x7A30] =	vst v0;
	s15 =	smulhi.u32 $0x10624DD3, s31;
	s2 =	sshrl.u32 s2, $0x3  }
0x22: {  	[tilespmem:s0+$0x7A40] =	vst v0;
	[dreg:$0xb] =	wrdreg s2;
	s2 =	smul.u32 $0xFFB1E000, s2  }
0x23: {  	[tilespmem:s0+$0x7A50] =	vst v0  }
0x24: {  	[tilespmem:s0+$0x7A60] =	vst v0;
	s10 =	sadd.s32 $0x10, s31;
	s0 =	sshrl.u32 s15, $0x3;
	s2 =	sshra.s32 s2, $0x2  }
0x25: {  	[dreg:$0xa] =	wrdreg s0;
	s17 =	smul.u32 $0xFFB1E000, s0;
	s14 =	sadd.s32 s2, s16  }
0x26: {  	[spmem:s14] =	stream.linear.scatter [tilespmem:s18], [sflag:$0x3], $0x2800, $0x38;
	[tilespmem:$0x1DA80] =	vst v63  }
0x27: {  	s0 =	simm.s32 $0x6;
	s2 =	sadd.s32 $0x28000, s16;
	_ =	swait.ge [sflag:s19], $0x2800  }
0x28: {  	s11 =	sshra.s32 s17, $0x2;
	[dreg:$0xc] =	wrdreg s17;
	[sflag:s19] =	ssyncset.done $0x0  }
.LBB2_4:
0x29: {  	s15 =	smulhi.u32 $0x10624DD3, s10  }
0x2a: {  	s11 =	sadd.s32 s11, s2;
	[sflag:s19] =	ssyncadd.s32 $0xFFFFD800;
	p0 =	sne.s32 s0, $0x1  }
0x2b: {  	[spmem:s11] =	stream.linear.scatter [tilespmem:s18], [sflag:$0x3], $0x2800, $0x38;
	[tilespmem:$0x1DA80] =	vst v63  }
.Ltmp1:
0x2c: {  	_ = 	snop;
	(pc) =	sbr.rel @p0 .LBB2_4-.Ltmp1, $4  }
0x2d: {  	s11 =	sshrl.u32 s15, $0x3  }
0x2e: {  	s0 =	sadd.s32 $0xFFFFFFFF, s0;
	s11 =	smul.u32 $0xFFB1E000, s11  }
0x2f: {  	s2 =	sadd.s32 $0x28000, s2;
	_ =	swait.ge [sflag:s19], $0x2800  }
0x30: {  	s10 =	sadd.s32 $0x10, s10;
	s11 =	sshra.s32 s11, $0x2;
	[sflag:s19] =	ssyncset.done $0x0  }
0x31: {  	s0 =	sadd.s32 s11, s2;
	[sflag:s19] =	ssyncadd.s32 $0xFFFFD800  }
0x32: {  	[spmem:s0] =	stream.linear.scatter [tilespmem:s18], [sflag:$0x3], $0x2800, $0x38;
	[tilespmem:$0x1DA80] =	vst v63  }
0x33: {  	_ =	swait.ge [sflag:s19], $0x2800  }
0x34: {  	[sflag:s19] =	ssyncset.done $0x0  }
0x35: {  	[sflag:s19] =	ssyncadd.s32 $0xFFFFD800  }
0x36: {  	[bflag:$0x0] =	sbarrier.arrive $0xFFFF  }
0x37: {  	s15 =	simm.s32 $0x0;
	s16 =	rddreg [dreg:$0x4]  }
0x38: {  	[tilespmem:s15], [sflag:$0x3] =	stream.linear.gather [hbm4b:s16+s15], $0x50, $0x38;
	[tilespmem:$0x1DA80] =	vst v63  }
0x39: {  	_ =	swait.ge [sflag:s19], $0x50  }
0x3a: {  	[sflag:s19] =	ssyncset.done $0x0  }
0x3b: {  	s17 =	rddreg [dreg:$0x5];
	[sflag:s19] =	ssyncadd.s32 $0xFFFFFFB0  }
0x3c: {  	[tilespmem:s20], [sflag:$0x3] =	stream.linear.gather [hbm4b:s17+s15], $0x50, $0x38;
	[tilespmem:$0x1DA80] =	vst v63  }
0x3d: {  	_ =	swait.ge [sflag:s19], $0x50  }
0x3e: {  	[sflag:s19] =	ssyncset.done $0x0  }
0x3f: {  	s2 =	simm.s32 $0x0;
	[sflag:s19] =	ssyncadd.s32 $0xFFFFFFB0  }
0x40: {  	[tilespmem:s22], [sflag:$0x1] =	stream.indirect.gather [hbm4b:s1+s21], $0x80, s15, s21, $0xb8;
	[tilespmem:$0x1DA80] =	vst v63  }
.LBB2_6:
0x41: {  	s16 =	smul.u32 $0xA0, s2;
	_ =	sdelay $0x1  }
0x42: {  	s17 =	sadd.s32 s16, s12  }
0x43: {  	s0 =	sshrl.u32 s17, $0x3  }
0x44: {  	s10 =	sadd.s32 s5, s0  }
0x45: {  	[tilespmem:s23], [sflag:$0x3] =	stream.linear.gather [hbm4b:s10+s15], $0x50, $0x38;
	[tilespmem:$0x1DA80] =	vst v63  }
0x46: {  	_ =	swait.ge [sflag:s19], $0x50  }
0x47: {  	[sflag:s19] =	ssyncset.done $0x0  }
0x48: {  	s0 =	sadd.s32 s6, s0;
	[sflag:s19] =	ssyncadd.s32 $0xFFFFFFB0  }
0x49: {  	[tilespmem:s24], [sflag:$0x3] =	stream.linear.gather [hbm4b:s0+s15], $0x50, $0x38;
	[tilespmem:$0x1DA80] =	vst v63  }
0x4a: {  	_ =	swait.ge [sflag:s19], $0x50  }
0x4b: {  	s11 =	sadd.s32 s7, s16;
	[sflag:s19] =	ssyncset.done $0x0  }
0x4c: {  	s0 =	sshll.u32 s11, $0x4;
	[sflag:s19] =	ssyncadd.s32 $0xFFFFFFB0  }
0x4d: {  	[tilespmem:s25], [sflag:$0x2] =	stream.indirect.gather [hbm4b:s1+s21], $0x80, s23, s21, $0xb8;
	[tilespmem:$0x1DA80] =	vst v63  }
0x4e: {  	s0 =	sadd.s32 s8, s0  }
0x4f: {  	[tilespmem:s26], [sflag:$0x3] =	stream.linear.gather [hbm4b:s0+s15], $0x2800, $0x38;
	[tilespmem:$0x1DA80] =	vst v63  }
0x50: {  	_ =	swait.ge [sflag:s19], $0x2800  }
0x51: {  	[sflag:s19] =	ssyncset.done $0x0  }
0x52: {  	[sflag:s19] =	ssyncadd.s32 $0xFFFFD800  }
0x53: {  	_ =	swait.ge [sflag:s28], $0x2800  }
0x54: {  	[sflag:s28] =	ssyncset.done $0x0  }
0x55: {  	s0 =	simm.s32 $0x0;
	[sflag:s28] =	ssyncadd.s32 $0xFFFFD800  }
0x56: {  	v1 =	vld [tilespmem:s0+$0x53B0]  }
0x57: {  	v2 =	vld [tilespmem:s0+$0x2B0]  }
0x58: {  	v3 =	vld [tilespmem:s0+$0x5200]  }
0x59: {  	v4 =	vld [tilespmem:s0+$0x100]  }
0x5a: {  	v5 =	vld [tilespmem:s0+$0x5210]  }
0x5b: {  	v6 =	vld [tilespmem:s0+$0x110]  }
0x5c: {  	v7 =	vld [tilespmem:s0+$0x5220]  }
0x5d: {  	v8 =	vld [tilespmem:s0+$0x5230]  }
0x5e: {  	v1 =	vmul.f32 v2, v1;
	v2 =	vld [tilespmem:s0+$0x120]  }
0x5f: {  	v3 =	vmul.f32 v4, v3;
	v4 =	vld [tilespmem:s0+$0x5280]  }
0x60: {  	[tilespmem:s0+$0x7BB0] =	vst v1;
	v1 =	vld [tilespmem:s0+$0x130]  }
0x61: {  	[tilespmem:s0+$0x7A00] =	vst v3;
	v3 =	vmul.f32 v6, v5;
	v5 =	vld [tilespmem:s0+$0x180]  }
0x62: {  	v6 =	vld [tilespmem:s0+$0x190]  }
0x63: {  	[tilespmem:s0+$0x7A10] =	vst v3;
	v3 =	vld [tilespmem:s0+$0x5290];
	v2 =	vmul.f32 v2, v7  }
0x64: {  	v7 =	vld [tilespmem:s0+$0x1A0]  }
0x65: {  	[tilespmem:s0+$0x7A20] =	vst v2;
	v1 =	vmul.f32 v1, v8;
	v2 =	vld [tilespmem:s0+$0x52A0]  }
0x66: {  	v8 =	vld [tilespmem:s0+$0x230]  }
0x67: {  	[tilespmem:s0+$0x7A30] =	vst v1;
	v1 =	vmul.f32 v5, v4;
	v4 =	vld [tilespmem:s0+$0x52B0]  }
0x68: {  	v5 =	vld [tilespmem:s0+$0x1B0]  }
0x69: {  	[tilespmem:s0+$0x7A80] =	vst v1;
	v1 =	vmul.f32 v6, v3;
	v3 =	vld [tilespmem:s0+$0x5300]  }
0x6a: {  	v6 =	vld [tilespmem:s0+$0x200]  }
0x6b: {  	[tilespmem:s0+$0x7A90] =	vst v1;
	v1 =	vmul.f32 v7, v2;
	v2 =	vld [tilespmem:s0+$0x5310]  }
0x6c: {  	v7 =	vld [tilespmem:s0+$0x210]  }
0x6d: {  	[tilespmem:s0+$0x7AA0] =	vst v1;
	v1 =	vmul.f32 v5, v4;
	v4 =	vld [tilespmem:s0+$0x5320]  }
0x6e: {  	v5 =	vld [tilespmem:s0+$0x220]  }
0x6f: {  	[tilespmem:s0+$0x7AB0] =	vst v1;
	v1 =	vmul.f32 v6, v3;
	v6 =	vld [tilespmem:s0+$0x5330]  }
0x70: {  	v9 =	vld [tilespmem:s0+$0x280]  }
0x71: {  	[tilespmem:s0+$0x7B00] =	vst v1;
	v1 =	vmul.f32 v7, v2;
	v7 =	vld [tilespmem:s0+$0x5380]  }
0x72: {  	v3 =	vld [tilespmem:s0+$0x5390]  }
0x73: {  	[tilespmem:s0+$0x7B10] =	vst v1;
	v1 =	vmul.f32 v5, v4;
	v4 =	vld [tilespmem:s0+$0x290]  }
0x74: {  	v5 =	vld [tilespmem:s0+$0x2A0];
	v6 =	vmul.f32 v8, v6  }
0x75: {  	s11 =	simm.s32 $0x200;
	[tilespmem:s0+$0x7B20] =	vst v1;
	v1 =	vld [tilespmem:s0+$0x53A0]  }
0x76: {  	s10 =	simm.s32 $0x1000;
	v2 =	vld [tilespmem:s11+$0x53B0];
	[tilespmem:s0+$0x7B30] =	vst v6;
	v6 =	vmul.f32 v9, v7  }
.LBB2_7:
0x77: {  	p0 =	sne.s32 s10, $0x9800;
	v7 =	vld [tilespmem:s11+$0x2B0]  }
0x78: {  	v8 =	vld [tilespmem:s11+$0x5200];
	[tilespmem:s0+$0x7B80] =	vst v6;
	v3 =	vmul.f32 v4, v3  }
0x79: {  	v4 =	vld [tilespmem:s11+$0x100]  }
0x7a: {  	v6 =	vld [tilespmem:s11+$0x5210];
	[tilespmem:s0+$0x7B90] =	vst v3;
	v1 =	vmul.f32 v5, v1  }
0x7b: {  	v3 =	vld [tilespmem:s11+$0x110]  }
0x7c: {  	v5 =	vld [tilespmem:s11+$0x5220];
	v2 =	vmul.f32 v7, v2;
	[tilespmem:s0+$0x7BA0] =	vst v1;
	s0 =	smov.u32 s11  }
0x7d: {  	v1 =	vld [tilespmem:s0+$0x120]  }
0x7e: {  	v4 =	vmul.f32 v4, v8;
	v7 =	vld [tilespmem:s0+$0x5230];
	[tilespmem:s0+$0x7BB0] =	vst v2  }
0x7f: {  	v2 =	vld [tilespmem:s0+$0x130]  }
0x80: {  	[tilespmem:s0+$0x7A00] =	vst v4;
	v3 =	vmul.f32 v3, v6;
	v4 =	vld [tilespmem:s0+$0x5280]  }
0x81: {  	v6 =	vld [tilespmem:s0+$0x180]  }
0x82: {  	[tilespmem:s0+$0x7A10] =	vst v3;
	v1 =	vmul.f32 v1, v5;
	v3 =	vld [tilespmem:s0+$0x5290]  }
0x83: {  	v5 =	vld [tilespmem:s0+$0x190]  }
0x84: {  	[tilespmem:s0+$0x7A20] =	vst v1;
	v1 =	vmul.f32 v2, v7;
	v2 =	vld [tilespmem:s0+$0x52A0]  }
0x85: {  	v7 =	vld [tilespmem:s0+$0x1A0]  }
0x86: {  	[tilespmem:s0+$0x7A30] =	vst v1;
	v1 =	vmul.f32 v6, v4;
	v4 =	vld [tilespmem:s0+$0x52B0]  }
0x87: {  	v6 =	vld [tilespmem:s0+$0x1B0]  }
0x88: {  	[tilespmem:s0+$0x7A80] =	vst v1;
	v1 =	vmul.f32 v5, v3;
	v3 =	vld [tilespmem:s0+$0x5300]  }
0x89: {  	v5 =	vld [tilespmem:s0+$0x200]  }
0x8a: {  	[tilespmem:s0+$0x7A90] =	vst v1;
	v1 =	vmul.f32 v7, v2;
	v2 =	vld [tilespmem:s0+$0x5310]  }
0x8b: {  	v7 =	vld [tilespmem:s0+$0x210]  }
0x8c: {  	[tilespmem:s0+$0x7AA0] =	vst v1;
	v1 =	vmul.f32 v6, v4;
	v4 =	vld [tilespmem:s0+$0x5320]  }
0x8d: {  	v6 =	vld [tilespmem:s0+$0x220]  }
0x8e: {  	[tilespmem:s0+$0x7AB0] =	vst v1;
	v1 =	vmul.f32 v5, v3;
	v5 =	vld [tilespmem:s0+$0x5330]  }
0x8f: {  	v8 =	vld [tilespmem:s0+$0x230]  }
0x90: {  	[tilespmem:s0+$0x7B00] =	vst v1;
	v1 =	vmul.f32 v7, v2;
	v7 =	vld [tilespmem:s0+$0x5380]  }
0x91: {  	v9 =	vld [tilespmem:s0+$0x280]  }
.Ltmp2:
0x92: {  	[tilespmem:s0+$0x7B10] =	vst v1;
	v1 =	vmul.f32 v6, v4;
	v3 =	vld [tilespmem:s0+$0x5390];
	(pc) =	sbr.rel @p0 .LBB2_7-.Ltmp2, $4  }
0x93: {  	v4 =	vld [tilespmem:s0+$0x290]  }
0x94: {  	[tilespmem:s0+$0x7B20] =	vst v1;
	v6 =	vmul.f32 v8, v5;
	v1 =	vld [tilespmem:s0+$0x53A0]  }
0x95: {  	s11 =	sshra.s32 s10, $0x2;
	v5 =	vld [tilespmem:s0+$0x2A0]  }
0x96: {  	s10 =	sadd.s32 $0x800, s10;
	v2 =	vld [tilespmem:s11+$0x53B0];
	[tilespmem:s0+$0x7B30] =	vst v6;
	v6 =	vmul.f32 v9, v7  }
0x97: {  	v7 =	vld [tilespmem:s11+$0x2B0]  }
0x98: {  	v8 =	vld [tilespmem:s11+$0x5200];
	[tilespmem:s0+$0x7B80] =	vst v6;
	v3 =	vmul.f32 v4, v3  }
0x99: {  	v4 =	vld [tilespmem:s11+$0x100]  }
0x9a: {  	v6 =	vld [tilespmem:s11+$0x5210];
	[tilespmem:s0+$0x7B90] =	vst v3;
	v1 =	vmul.f32 v5, v1  }
0x9b: {  	v3 =	vld [tilespmem:s11+$0x110]  }
0x9c: {  	v5 =	vld [tilespmem:s11+$0x5220];
	[tilespmem:s0+$0x7BA0] =	vst v1  }
0x9d: {  	v1 =	vmul.f32 v7, v2;
	v2 =	vld [tilespmem:s11+$0x120]  }
0x9e: {  	v7 =	vld [tilespmem:s11+$0x5230]  }
0x9f: {  	v4 =	vmul.f32 v4, v8;
	[tilespmem:s11+$0x7BB0] =	vst v1;
	v1 =	vld [tilespmem:s11+$0x130]  }
0xa0: {  	v8 =	vld [tilespmem:s11+$0x2A0]  }
0xa1: {  	[tilespmem:s11+$0x7A00] =	vst v4;
	v3 =	vmul.f32 v3, v6;
	v4 =	vld [tilespmem:s11+$0x5280]  }
0xa2: {  	v6 =	vld [tilespmem:s11+$0x180]  }
0xa3: {  	[tilespmem:s11+$0x7A10] =	vst v3;
	v3 =	vld [tilespmem:s11+$0x5290]  }
0xa4: {  	v2 =	vmul.f32 v2, v5;
	v5 =	vld [tilespmem:s11+$0x190]  }
0xa5: {  	v1 =	vmul.f32 v1, v7;
	v7 =	vld [tilespmem:s11+$0x1A0]  }
0xa6: {  	[tilespmem:s11+$0x7A20] =	vst v2;
	v2 =	vld [tilespmem:s11+$0x52A0]  }
0xa7: {  	[tilespmem:s11+$0x7A30] =	vst v1;
	v1 =	vmul.f32 v6, v4;
	v4 =	vld [tilespmem:s11+$0x52B0]  }
0xa8: {  	v6 =	vld [tilespmem:s11+$0x1B0]  }
0xa9: {  	[tilespmem:s11+$0x7A80] =	vst v1;
	v1 =	vmul.f32 v5, v3;
	v3 =	vld [tilespmem:s11+$0x5300]  }
0xaa: {  	v5 =	vld [tilespmem:s11+$0x200]  }
0xab: {  	[tilespmem:s11+$0x7A90] =	vst v1;
	v1 =	vmul.f32 v7, v2;
	v2 =	vld [tilespmem:s11+$0x5310]  }
0xac: {  	v7 =	vld [tilespmem:s11+$0x210]  }
0xad: {  	[tilespmem:s11+$0x7AA0] =	vst v1;
	v1 =	vmul.f32 v6, v4;
	v4 =	vld [tilespmem:s11+$0x5320]  }
0xae: {  	v6 =	vld [tilespmem:s11+$0x220]  }
0xaf: {  	[tilespmem:s11+$0x7AB0] =	vst v1;
	v1 =	vmul.f32 v5, v3;
	v3 =	vld [tilespmem:s11+$0x5330]  }
0xb0: {  	v5 =	vld [tilespmem:s11+$0x230]  }
0xb1: {  	[tilespmem:s11+$0x7B00] =	vst v1;
	v1 =	vmul.f32 v7, v2;
	v2 =	vld [tilespmem:s11+$0x5380]  }
0xb2: {  	v7 =	vld [tilespmem:s11+$0x280]  }
0xb3: {  	[tilespmem:s11+$0x7B10] =	vst v1;
	v1 =	vmul.f32 v6, v4;
	v4 =	vld [tilespmem:s11+$0x5390]  }
0xb4: {  	v6 =	vld [tilespmem:s11+$0x290]  }
0xb5: {  	[tilespmem:s11+$0x7B20] =	vst v1;
	v1 =	vld [tilespmem:s11+$0x53A0];
	_ =	sdelay $0x1  }
0xb6: {  	v3 =	vmul.f32 v5, v3  }
0xb7: {  	v2 =	vmul.f32 v7, v2  }
0xb8: {  	[tilespmem:s11+$0x7B30] =	vst v3;
	v3 =	vmul.f32 v6, v4  }
0xb9: {  	[tilespmem:s11+$0x7B80] =	vst v2;
	v1 =	vmul.f32 v8, v1  }
0xba: {  	[tilespmem:s11+$0x7B90] =	vst v3  }
0xbb: {  	[tilespmem:s11+$0x7BA0] =	vst v1  }
0xbc: {  	[spmem:s3] =	stream.indirect.scatter.add.f32 [tilespmem:s18], [sflag:$0x3], $0x80, s20, s21, $0xb8;
	[tilespmem:$0x1DA80] =	vst v63  }
0xbd: {  	s11 =	sadd.s32 s16, s13;
	_ =	swait.ge [sflag:s19], $0x2800  }
0xbe: {  	s0 =	sshrl.u32 s11, $0x3;
	[sflag:s19] =	ssyncset.done $0x0  }
0xbf: {  	s16 =	simm.s32 $0x0;
	s10 =	sadd.s32 s5, s0;
	[sflag:s19] =	ssyncadd.s32 $0xFFFFD800  }
0xc0: {  	[tilespmem:s16], [sflag:$0x3] =	stream.linear.gather [hbm4b:s10+s16], $0x50, $0x38;
	[tilespmem:$0x1DA80] =	vst v63  }
0xc1: {  	_ =	swait.ge [sflag:s19], $0x50  }
0xc2: {  	[sflag:s19] =	ssyncset.done $0x0  }
0xc3: {  	s0 =	sadd.s32 s6, s0;
	[sflag:s19] =	ssyncadd.s32 $0xFFFFFFB0  }
0xc4: {  	[tilespmem:s20], [sflag:$0x3] =	stream.linear.gather [hbm4b:s0+s16], $0x50, $0x38;
	[tilespmem:$0x1DA80] =	vst v63  }
0xc5: {  	_ =	swait.ge [sflag:s19], $0x50  }
0xc6: {  	[sflag:s19] =	ssyncset.done $0x0  }
0xc7: {  	s17 =	sshll.u32 s17, $0x4;
	[sflag:s19] =	ssyncadd.s32 $0xFFFFFFB0  }
0xc8: {  	[tilespmem:s22], [sflag:$0x1] =	stream.indirect.gather [hbm4b:s1+s21], $0x80, s16, s21, $0xb8;
	[tilespmem:$0x1DA80] =	vst v63  }
0xc9: {  	s0 =	sadd.s32 s8, s17  }
0xca: {  	[tilespmem:s26], [sflag:$0x3] =	stream.linear.gather [hbm4b:s0+s16], $0x2800, $0x38;
	[tilespmem:$0x1DA80] =	vst v63  }
0xcb: {  	_ =	swait.ge [sflag:s19], $0x2800  }
0xcc: {  	[sflag:s19] =	ssyncset.done $0x0  }
0xcd: {  	[sflag:s19] =	ssyncadd.s32 $0xFFFFD800  }
0xce: {  	_ =	swait.ge [sflag:s29], $0x2800  }
0xcf: {  	[sflag:s29] =	ssyncset.done $0x0  }
0xd0: {  	s0 =	simm.s32 $0x0;
	[sflag:s29] =	ssyncadd.s32 $0xFFFFD800  }
0xd1: {  	v1 =	vld [tilespmem:s0+$0x53B0]  }
0xd2: {  	v2 =	vld [tilespmem:s0+$0x2BB0]  }
0xd3: {  	v3 =	vld [tilespmem:s0+$0x5200]  }
0xd4: {  	v4 =	vld [tilespmem:s0+$0x2A00]  }
0xd5: {  	v5 =	vld [tilespmem:s0+$0x5210]  }
0xd6: {  	v6 =	vld [tilespmem:s0+$0x2A10]  }
0xd7: {  	v7 =	vld [tilespmem:s0+$0x5220]  }
0xd8: {  	v8 =	vld [tilespmem:s0+$0x5230]  }
0xd9: {  	v1 =	vmul.f32 v2, v1;
	v2 =	vld [tilespmem:s0+$0x2A20]  }
0xda: {  	v3 =	vmul.f32 v4, v3;
	v4 =	vld [tilespmem:s0+$0x5280]  }
0xdb: {  	[tilespmem:s0+$0x7BB0] =	vst v1;
	v1 =	vld [tilespmem:s0+$0x2A30]  }
0xdc: {  	[tilespmem:s0+$0x7A00] =	vst v3;
	v3 =	vmul.f32 v6, v5;
	v5 =	vld [tilespmem:s0+$0x2A80]  }
0xdd: {  	v6 =	vld [tilespmem:s0+$0x2A90]  }
0xde: {  	[tilespmem:s0+$0x7A10] =	vst v3;
	v3 =	vld [tilespmem:s0+$0x5290];
	v2 =	vmul.f32 v2, v7  }
0xdf: {  	v7 =	vld [tilespmem:s0+$0x2AA0]  }
0xe0: {  	[tilespmem:s0+$0x7A20] =	vst v2;
	v1 =	vmul.f32 v1, v8;
	v2 =	vld [tilespmem:s0+$0x52A0]  }
0xe1: {  	v8 =	vld [tilespmem:s0+$0x2B30]  }
0xe2: {  	[tilespmem:s0+$0x7A30] =	vst v1;
	v1 =	vmul.f32 v5, v4;
	v4 =	vld [tilespmem:s0+$0x52B0]  }
0xe3: {  	v5 =	vld [tilespmem:s0+$0x2AB0]  }
0xe4: {  	[tilespmem:s0+$0x7A80] =	vst v1;
	v1 =	vmul.f32 v6, v3;
	v3 =	vld [tilespmem:s0+$0x5300]  }
0xe5: {  	v6 =	vld [tilespmem:s0+$0x2B00]  }
0xe6: {  	[tilespmem:s0+$0x7A90] =	vst v1;
	v1 =	vmul.f32 v7, v2;
	v2 =	vld [tilespmem:s0+$0x5310]  }
0xe7: {  	v7 =	vld [tilespmem:s0+$0x2B10]  }
0xe8: {  	[tilespmem:s0+$0x7AA0] =	vst v1;
	v1 =	vmul.f32 v5, v4;
	v4 =	vld [tilespmem:s0+$0x5320]  }
0xe9: {  	v5 =	vld [tilespmem:s0+$0x2B20]  }
0xea: {  	[tilespmem:s0+$0x7AB0] =	vst v1;
	v1 =	vmul.f32 v6, v3;
	v6 =	vld [tilespmem:s0+$0x5330]  }
0xeb: {  	v9 =	vld [tilespmem:s0+$0x2B80]  }
0xec: {  	[tilespmem:s0+$0x7B00] =	vst v1;
	v1 =	vmul.f32 v7, v2;
	v7 =	vld [tilespmem:s0+$0x5380]  }
0xed: {  	v3 =	vld [tilespmem:s0+$0x5390]  }
0xee: {  	[tilespmem:s0+$0x7B10] =	vst v1;
	v1 =	vmul.f32 v5, v4;
	v4 =	vld [tilespmem:s0+$0x2B90]  }
0xef: {  	v5 =	vld [tilespmem:s0+$0x2BA0];
	v6 =	vmul.f32 v8, v6  }
0xf0: {  	s11 =	simm.s32 $0x200;
	[tilespmem:s0+$0x7B20] =	vst v1;
	v1 =	vld [tilespmem:s0+$0x53A0]  }
0xf1: {  	s10 =	simm.s32 $0x1000;
	v2 =	vld [tilespmem:s11+$0x53B0];
	[tilespmem:s0+$0x7B30] =	vst v6;
	v6 =	vmul.f32 v9, v7  }
.LBB2_9:
0xf2: {  	p0 =	sne.s32 s10, $0x9800;
	v7 =	vld [tilespmem:s11+$0x2BB0]  }
0xf3: {  	v8 =	vld [tilespmem:s11+$0x5200];
	[tilespmem:s0+$0x7B80] =	vst v6;
	v3 =	vmul.f32 v4, v3  }
0xf4: {  	v4 =	vld [tilespmem:s11+$0x2A00]  }
0xf5: {  	v6 =	vld [tilespmem:s11+$0x5210];
	[tilespmem:s0+$0x7B90] =	vst v3;
	v1 =	vmul.f32 v5, v1  }
0xf6: {  	v3 =	vld [tilespmem:s11+$0x2A10]  }
0xf7: {  	v5 =	vld [tilespmem:s11+$0x5220];
	v2 =	vmul.f32 v7, v2;
	[tilespmem:s0+$0x7BA0] =	vst v1;
	s0 =	smov.u32 s11  }
0xf8: {  	v1 =	vld [tilespmem:s0+$0x2A20]  }
0xf9: {  	v4 =	vmul.f32 v4, v8;
	v7 =	vld [tilespmem:s0+$0x5230];
	[tilespmem:s0+$0x7BB0] =	vst v2  }
0xfa: {  	v2 =	vld [tilespmem:s0+$0x2A30]  }
0xfb: {  	[tilespmem:s0+$0x7A00] =	vst v4;
	v3 =	vmul.f32 v3, v6;
	v4 =	vld [tilespmem:s0+$0x5280]  }
0xfc: {  	v6 =	vld [tilespmem:s0+$0x2A80]  }
0xfd: {  	[tilespmem:s0+$0x7A10] =	vst v3;
	v1 =	vmul.f32 v1, v5;
	v3 =	vld [tilespmem:s0+$0x5290]  }
0xfe: {  	v5 =	vld [tilespmem:s0+$0x2A90]  }
0xff: {  	[tilespmem:s0+$0x7A20] =	vst v1;
	v1 =	vmul.f32 v2, v7;
	v2 =	vld [tilespmem:s0+$0x52A0]  }
0x100: {  	v7 =	vld [tilespmem:s0+$0x2AA0]  }
0x101: {  	[tilespmem:s0+$0x7A30] =	vst v1;
	v1 =	vmul.f32 v6, v4;
	v4 =	vld [tilespmem:s0+$0x52B0]  }
0x102: {  	v6 =	vld [tilespmem:s0+$0x2AB0]  }
0x103: {  	[tilespmem:s0+$0x7A80] =	vst v1;
	v1 =	vmul.f32 v5, v3;
	v3 =	vld [tilespmem:s0+$0x5300]  }
0x104: {  	v5 =	vld [tilespmem:s0+$0x2B00]  }
0x105: {  	[tilespmem:s0+$0x7A90] =	vst v1;
	v1 =	vmul.f32 v7, v2;
	v2 =	vld [tilespmem:s0+$0x5310]  }
0x106: {  	v7 =	vld [tilespmem:s0+$0x2B10]  }
0x107: {  	[tilespmem:s0+$0x7AA0] =	vst v1;
	v1 =	vmul.f32 v6, v4;
	v4 =	vld [tilespmem:s0+$0x5320]  }
0x108: {  	v6 =	vld [tilespmem:s0+$0x2B20]  }
0x109: {  	[tilespmem:s0+$0x7AB0] =	vst v1;
	v1 =	vmul.f32 v5, v3;
	v5 =	vld [tilespmem:s0+$0x5330]  }
0x10a: {  	v8 =	vld [tilespmem:s0+$0x2B30]  }
0x10b: {  	[tilespmem:s0+$0x7B00] =	vst v1;
	v1 =	vmul.f32 v7, v2;
	v7 =	vld [tilespmem:s0+$0x5380]  }
0x10c: {  	v9 =	vld [tilespmem:s0+$0x2B80]  }
.Ltmp3:
0x10d: {  	[tilespmem:s0+$0x7B10] =	vst v1;
	v1 =	vmul.f32 v6, v4;
	v3 =	vld [tilespmem:s0+$0x5390];
	(pc) =	sbr.rel @p0 .LBB2_9-.Ltmp3, $4  }
0x10e: {  	v4 =	vld [tilespmem:s0+$0x2B90]  }
0x10f: {  	[tilespmem:s0+$0x7B20] =	vst v1;
	v6 =	vmul.f32 v8, v5;
	v1 =	vld [tilespmem:s0+$0x53A0]  }
0x110: {  	s11 =	sshra.s32 s10, $0x2;
	v5 =	vld [tilespmem:s0+$0x2BA0]  }
0x111: {  	s10 =	sadd.s32 $0x800, s10;
	v2 =	vld [tilespmem:s11+$0x53B0];
	[tilespmem:s0+$0x7B30] =	vst v6;
	v6 =	vmul.f32 v9, v7  }
0x112: {  	v7 =	vld [tilespmem:s11+$0x2BB0]  }
0x113: {  	v8 =	vld [tilespmem:s11+$0x5200];
	[tilespmem:s0+$0x7B80] =	vst v6;
	v3 =	vmul.f32 v4, v3  }
0x114: {  	v46 =	vld [tilespmem:s11+$0x2A00]  }
0x115: {  	v6 =	vld [tilespmem:s11+$0x5210];
	[tilespmem:s0+$0x7B90] =	vst v3;
	v1 =	vmul.f32 v5, v1  }
0x116: {  	v3 =	vld [tilespmem:s11+$0x2A10]  }
0x117: {  	v47 =	vld [tilespmem:s11+$0x5220];
	[tilespmem:s0+$0x7BA0] =	vst v1  }
0x118: {  	v1 =	vmul.f32 v7, v2;
	v2 =	vld [tilespmem:s11+$0x2A20]  }
0x119: {  	v48 =	vld [tilespmem:s11+$0x5230]  }
0x11a: {  	v49 =	vld [tilespmem:s11+$0x5280]  }
0x11b: {  	[tilespmem:s11+$0x7BB0] =	vst v1;
	v1 =	vld [tilespmem:s11+$0x2A30]  }
0x11c: {  	v50 =	vld [tilespmem:s11+$0x2A80]  }
0x11d: {  	v51 =	vld [tilespmem:s11+$0x2A90];
	v3 =	vmul.f32 v3, v6  }
0x11e: {  	v52 =	vld [tilespmem:s11+$0x2AA0]  }
0x11f: {  	[tilespmem:s11+$0x7A10] =	vst v3;
	v2 =	vmul.f32 v2, v47;
	v3 =	vld [tilespmem:s11+$0x5290]  }
0x120: {  	v53 =	vld [tilespmem:s11+$0x52B0];
	v1 =	vmul.f32 v1, v48  }
0x121: {  	[tilespmem:s11+$0x7A20] =	vst v2;
	v2 =	vld [tilespmem:s11+$0x52A0]  }
0x122: {  	v54 =	vld [tilespmem:s11+$0x2AB0];
	[tilespmem:s11+$0x7A30] =	vst v1;
	v1 =	vmul.f32 v50, v49  }
0x123: {  	v55 =	vld [tilespmem:s11+$0x2B00]  }
0x124: {  	v56 =	vld [tilespmem:s11+$0x2B10];
	[tilespmem:s11+$0x7A80] =	vst v1;
	v1 =	vmul.f32 v51, v3  }
0x125: {  	v3 =	vld [tilespmem:s11+$0x5300]  }
0x126: {  	v57 =	vld [tilespmem:s11+$0x5320];
	[tilespmem:s11+$0x7A90] =	vst v1;
	v1 =	vmul.f32 v52, v2  }
0x127: {  	v2 =	vld [tilespmem:s11+$0x5310]  }
0x128: {  	v58 =	vld [tilespmem:s11+$0x2B20];
	[tilespmem:s11+$0x7AA0] =	vst v1;
	v1 =	vmul.f32 v54, v53  }
0x129: {  	v59 =	vld [tilespmem:s11+$0x2B30]  }
0x12a: {  	v60 =	vld [tilespmem:s11+$0x2B80];
	[tilespmem:s11+$0x7AB0] =	vst v1;
	v1 =	vmul.f32 v55, v3  }
0x12b: {  	v61 =	vld [tilespmem:s11+$0x5390]  }
0x12c: {  	v62 =	vld [tilespmem:s11+$0x2B90];
	[tilespmem:s11+$0x7B00] =	vst v1;
	v1 =	vmul.f32 v56, v2  }
0x12d: {  	v3 =	vld [tilespmem:s11+$0x5330]  }
0x12e: {  	v2 =	vld [tilespmem:s11+$0x5380];
	[tilespmem:s11+$0x7B10] =	vst v1;
	v1 =	vmul.f32 v58, v57  }
0x12f: {  	v63 =	vld [tilespmem:s11+$0x2BA0]  }
0x130: {  	[tilespmem:s11+$0x7B20] =	vst v1;
	v1 =	vld [tilespmem:s11+$0x53A0]  }
0x131: {  	v4 =	vmul.f32 v46, v8  }
0x132: {  	v3 =	vmul.f32 v59, v3  }
0x133: {  	[tilespmem:s11+$0x7A00] =	vst v4;
	v2 =	vmul.f32 v60, v2  }
0x134: {  	[tilespmem:s11+$0x7B30] =	vst v3;
	v3 =	vmul.f32 v62, v61  }
0x135: {  	s2 =	sadd.s32 $0x1, s2;
	[tilespmem:s11+$0x7B80] =	vst v2;
	v1 =	vmul.f32 v63, v1  }
0x136: {  	p0 =	sne.s32 s2, $0x3E;
	[tilespmem:s11+$0x7B90] =	vst v3  }
.Ltmp4:
0x137: {  	[tilespmem:s11+$0x7BA0] =	vst v1;
	(pc) =	sbr.rel @p0 .LBB2_6-.Ltmp4, $4  }
0x138: {  	[spmem:s3] =	stream.indirect.scatter.add.f32 [tilespmem:s18], [sflag:$0x3], $0x80, s24, s21, $0xb8;
	[tilespmem:$0x1DA80] =	vst v63  }
0x139: {  	_ =	swait.ge [sflag:s19], $0x2800  }
0x13a: {  	[sflag:s19] =	ssyncset.done $0x0  }
0x13b: {  	[sflag:s19] =	ssyncadd.s32 $0xFFFFD800  }
0x13c: {  	s0 =	simm.s32 $0x0;
	s2 =	rddreg [dreg:$0x6]  }
0x13d: {  	[tilespmem:s26], [sflag:$0x3] =	stream.linear.gather [hbm4b:s2+s0], $0x2800, $0x38;
	[tilespmem:$0x1DA80] =	vst v63  }
0x13e: {  	_ =	swait.ge [sflag:s19], $0x2800  }
0x13f: {  	[sflag:s19] =	ssyncset.done $0x0  }
0x140: {  	[sflag:s19] =	ssyncadd.s32 $0xFFFFD800  }
0x141: {  	_ =	swait.ge [sflag:s28], $0x2800  }
0x142: {  	[sflag:s28] =	ssyncset.done $0x0  }
0x143: {  	s0 =	simm.s32 $0x0;
	[sflag:s28] =	ssyncadd.s32 $0xFFFFD800  }
0x144: {  	v1 =	vld [tilespmem:s0+$0x53B0]  }
0x145: {  	v2 =	vld [tilespmem:s0+$0x2B0]  }
0x146: {  	v3 =	vld [tilespmem:s0+$0x5200]  }
0x147: {  	v4 =	vld [tilespmem:s0+$0x100]  }
0x148: {  	v5 =	vld [tilespmem:s0+$0x5210]  }
0x149: {  	v6 =	vld [tilespmem:s0+$0x110]  }
0x14a: {  	v7 =	vld [tilespmem:s0+$0x5220]  }
0x14b: {  	v8 =	vld [tilespmem:s0+$0x5230]  }
0x14c: {  	v1 =	vmul.f32 v2, v1;
	v2 =	vld [tilespmem:s0+$0x120]  }
0x14d: {  	v3 =	vmul.f32 v4, v3;
	v4 =	vld [tilespmem:s0+$0x5280]  }
0x14e: {  	[tilespmem:s0+$0x7BB0] =	vst v1;
	v1 =	vld [tilespmem:s0+$0x130]  }
0x14f: {  	[tilespmem:s0+$0x7A00] =	vst v3;
	v3 =	vmul.f32 v6, v5;
	v5 =	vld [tilespmem:s0+$0x180]  }
0x150: {  	v6 =	vld [tilespmem:s0+$0x190]  }
0x151: {  	[tilespmem:s0+$0x7A10] =	vst v3;
	v3 =	vld [tilespmem:s0+$0x5290];
	v2 =	vmul.f32 v2, v7  }
0x152: {  	v7 =	vld [tilespmem:s0+$0x1A0]  }
0x153: {  	[tilespmem:s0+$0x7A20] =	vst v2;
	v1 =	vmul.f32 v1, v8;
	v2 =	vld [tilespmem:s0+$0x52A0]  }
0x154: {  	v8 =	vld [tilespmem:s0+$0x230]  }
0x155: {  	[tilespmem:s0+$0x7A30] =	vst v1;
	v1 =	vmul.f32 v5, v4;
	v4 =	vld [tilespmem:s0+$0x52B0]  }
0x156: {  	v5 =	vld [tilespmem:s0+$0x1B0]  }
0x157: {  	[tilespmem:s0+$0x7A80] =	vst v1;
	v1 =	vmul.f32 v6, v3;
	v3 =	vld [tilespmem:s0+$0x5300]  }
0x158: {  	v6 =	vld [tilespmem:s0+$0x200]  }
0x159: {  	[tilespmem:s0+$0x7A90] =	vst v1;
	v1 =	vmul.f32 v7, v2;
	v2 =	vld [tilespmem:s0+$0x5310]  }
0x15a: {  	v7 =	vld [tilespmem:s0+$0x210]  }
0x15b: {  	[tilespmem:s0+$0x7AA0] =	vst v1;
	v1 =	vmul.f32 v5, v4;
	v4 =	vld [tilespmem:s0+$0x5320]  }
0x15c: {  	v5 =	vld [tilespmem:s0+$0x220]  }
0x15d: {  	[tilespmem:s0+$0x7AB0] =	vst v1;
	v1 =	vmul.f32 v6, v3;
	v6 =	vld [tilespmem:s0+$0x5330]  }
0x15e: {  	v9 =	vld [tilespmem:s0+$0x280]  }
0x15f: {  	[tilespmem:s0+$0x7B00] =	vst v1;
	v1 =	vmul.f32 v7, v2;
	v7 =	vld [tilespmem:s0+$0x5380]  }
0x160: {  	v3 =	vld [tilespmem:s0+$0x5390]  }
0x161: {  	[tilespmem:s0+$0x7B10] =	vst v1;
	v1 =	vmul.f32 v5, v4;
	v4 =	vld [tilespmem:s0+$0x290]  }
0x162: {  	v5 =	vld [tilespmem:s0+$0x2A0];
	v6 =	vmul.f32 v8, v6  }
0x163: {  	s10 =	simm.s32 $0x200;
	[tilespmem:s0+$0x7B20] =	vst v1;
	v1 =	vld [tilespmem:s0+$0x53A0]  }
0x164: {  	s2 =	simm.s32 $0x1000;
	v2 =	vld [tilespmem:s10+$0x53B0];
	[tilespmem:s0+$0x7B30] =	vst v6;
	v6 =	vmul.f32 v9, v7  }
.LBB2_12:
0x165: {  	p0 =	sne.s32 s2, $0x9800;
	v7 =	vld [tilespmem:s10+$0x2B0]  }
0x166: {  	v8 =	vld [tilespmem:s10+$0x5200];
	[tilespmem:s0+$0x7B80] =	vst v6;
	v3 =	vmul.f32 v4, v3  }
0x167: {  	v4 =	vld [tilespmem:s10+$0x100]  }
0x168: {  	v6 =	vld [tilespmem:s10+$0x5210];
	[tilespmem:s0+$0x7B90] =	vst v3;
	v1 =	vmul.f32 v5, v1  }
0x169: {  	v3 =	vld [tilespmem:s10+$0x110]  }
0x16a: {  	v5 =	vld [tilespmem:s10+$0x5220];
	v2 =	vmul.f32 v7, v2;
	[tilespmem:s0+$0x7BA0] =	vst v1;
	s0 =	smov.u32 s10  }
0x16b: {  	v1 =	vld [tilespmem:s0+$0x120]  }
0x16c: {  	v4 =	vmul.f32 v4, v8;
	v7 =	vld [tilespmem:s0+$0x5230];
	[tilespmem:s0+$0x7BB0] =	vst v2  }
0x16d: {  	v2 =	vld [tilespmem:s0+$0x130]  }
0x16e: {  	[tilespmem:s0+$0x7A00] =	vst v4;
	v3 =	vmul.f32 v3, v6;
	v4 =	vld [tilespmem:s0+$0x5280]  }
0x16f: {  	v6 =	vld [tilespmem:s0+$0x180]  }
0x170: {  	[tilespmem:s0+$0x7A10] =	vst v3;
	v1 =	vmul.f32 v1, v5;
	v3 =	vld [tilespmem:s0+$0x5290]  }
0x171: {  	v5 =	vld [tilespmem:s0+$0x190]  }
0x172: {  	[tilespmem:s0+$0x7A20] =	vst v1;
	v1 =	vmul.f32 v2, v7;
	v2 =	vld [tilespmem:s0+$0x52A0]  }
0x173: {  	v7 =	vld [tilespmem:s0+$0x1A0]  }
0x174: {  	[tilespmem:s0+$0x7A30] =	vst v1;
	v1 =	vmul.f32 v6, v4;
	v4 =	vld [tilespmem:s0+$0x52B0]  }
0x175: {  	v6 =	vld [tilespmem:s0+$0x1B0]  }
0x176: {  	[tilespmem:s0+$0x7A80] =	vst v1;
	v1 =	vmul.f32 v5, v3;
	v3 =	vld [tilespmem:s0+$0x5300]  }
0x177: {  	v5 =	vld [tilespmem:s0+$0x200]  }
0x178: {  	[tilespmem:s0+$0x7A90] =	vst v1;
	v1 =	vmul.f32 v7, v2;
	v2 =	vld [tilespmem:s0+$0x5310]  }
0x179: {  	v7 =	vld [tilespmem:s0+$0x210]  }
0x17a: {  	[tilespmem:s0+$0x7AA0] =	vst v1;
	v1 =	vmul.f32 v6, v4;
	v4 =	vld [tilespmem:s0+$0x5320]  }
0x17b: {  	v6 =	vld [tilespmem:s0+$0x220]  }
0x17c: {  	[tilespmem:s0+$0x7AB0] =	vst v1;
	v1 =	vmul.f32 v5, v3;
	v5 =	vld [tilespmem:s0+$0x5330]  }
0x17d: {  	v8 =	vld [tilespmem:s0+$0x230]  }
0x17e: {  	[tilespmem:s0+$0x7B00] =	vst v1;
	v1 =	vmul.f32 v7, v2;
	v7 =	vld [tilespmem:s0+$0x5380]  }
0x17f: {  	v9 =	vld [tilespmem:s0+$0x280]  }
.Ltmp5:
0x180: {  	[tilespmem:s0+$0x7B10] =	vst v1;
	v1 =	vmul.f32 v6, v4;
	v3 =	vld [tilespmem:s0+$0x5390];
	(pc) =	sbr.rel @p0 .LBB2_12-.Ltmp5, $4  }
0x181: {  	v4 =	vld [tilespmem:s0+$0x290]  }
0x182: {  	[tilespmem:s0+$0x7B20] =	vst v1;
	v6 =	vmul.f32 v8, v5;
	v1 =	vld [tilespmem:s0+$0x53A0]  }
0x183: {  	s10 =	sshra.s32 s2, $0x2;
	v5 =	vld [tilespmem:s0+$0x2A0]  }
0x184: {  	s2 =	sadd.s32 $0x800, s2;
	v2 =	vld [tilespmem:s10+$0x53B0];
	[tilespmem:s0+$0x7B30] =	vst v6;
	v6 =	vmul.f32 v9, v7  }
0x185: {  	v7 =	vld [tilespmem:s10+$0x2B0]  }
0x186: {  	v8 =	vld [tilespmem:s10+$0x5200];
	[tilespmem:s0+$0x7B80] =	vst v6;
	v3 =	vmul.f32 v4, v3  }
0x187: {  	v46 =	vld [tilespmem:s10+$0x100]  }
0x188: {  	v6 =	vld [tilespmem:s10+$0x5210];
	[tilespmem:s0+$0x7B90] =	vst v3;
	v1 =	vmul.f32 v5, v1  }
0x189: {  	v3 =	vld [tilespmem:s10+$0x110]  }
0x18a: {  	v47 =	vld [tilespmem:s10+$0x5220];
	[tilespmem:s0+$0x7BA0] =	vst v1  }
0x18b: {  	v1 =	vmul.f32 v7, v2;
	v2 =	vld [tilespmem:s10+$0x120]  }
0x18c: {  	v48 =	vld [tilespmem:s10+$0x5230]  }
0x18d: {  	v49 =	vld [tilespmem:s10+$0x5280]  }
0x18e: {  	[tilespmem:s10+$0x7BB0] =	vst v1;
	v1 =	vld [tilespmem:s10+$0x130]  }
0x18f: {  	v50 =	vld [tilespmem:s10+$0x180]  }
0x190: {  	v51 =	vld [tilespmem:s10+$0x190];
	v3 =	vmul.f32 v3, v6  }
0x191: {  	v52 =	vld [tilespmem:s10+$0x1A0]  }
0x192: {  	[tilespmem:s10+$0x7A10] =	vst v3;
	v2 =	vmul.f32 v2, v47;
	v3 =	vld [tilespmem:s10+$0x5290]  }
0x193: {  	v53 =	vld [tilespmem:s10+$0x52B0];
	v1 =	vmul.f32 v1, v48  }
0x194: {  	[tilespmem:s10+$0x7A20] =	vst v2;
	v2 =	vld [tilespmem:s10+$0x52A0]  }
0x195: {  	v54 =	vld [tilespmem:s10+$0x1B0];
	[tilespmem:s10+$0x7A30] =	vst v1;
	v1 =	vmul.f32 v50, v49  }
0x196: {  	v55 =	vld [tilespmem:s10+$0x200]  }
0x197: {  	v56 =	vld [tilespmem:s10+$0x210];
	[tilespmem:s10+$0x7A80] =	vst v1;
	v1 =	vmul.f32 v51, v3  }
0x198: {  	v3 =	vld [tilespmem:s10+$0x5300]  }
0x199: {  	v57 =	vld [tilespmem:s10+$0x5320];
	[tilespmem:s10+$0x7A90] =	vst v1;
	v1 =	vmul.f32 v52, v2  }
0x19a: {  	v2 =	vld [tilespmem:s10+$0x5310]  }
0x19b: {  	v58 =	vld [tilespmem:s10+$0x220];
	[tilespmem:s10+$0x7AA0] =	vst v1;
	v1 =	vmul.f32 v54, v53  }
0x19c: {  	v59 =	vld [tilespmem:s10+$0x230]  }
0x19d: {  	v60 =	vld [tilespmem:s10+$0x280];
	[tilespmem:s10+$0x7AB0] =	vst v1;
	v1 =	vmul.f32 v55, v3  }
0x19e: {  	v61 =	vld [tilespmem:s10+$0x5390]  }
0x19f: {  	v62 =	vld [tilespmem:s10+$0x290];
	[tilespmem:s10+$0x7B00] =	vst v1;
	v1 =	vmul.f32 v56, v2  }
0x1a0: {  	v3 =	vld [tilespmem:s10+$0x5330]  }
0x1a1: {  	v2 =	vld [tilespmem:s10+$0x5380];
	[tilespmem:s10+$0x7B10] =	vst v1;
	v1 =	vmul.f32 v58, v57  }
0x1a2: {  	v63 =	vld [tilespmem:s10+$0x2A0]  }
0x1a3: {  	[tilespmem:s10+$0x7B20] =	vst v1;
	v1 =	vld [tilespmem:s10+$0x53A0]  }
0x1a4: {  	v4 =	vmul.f32 v46, v8  }
0x1a5: {  	v3 =	vmul.f32 v59, v3  }
0x1a6: {  	[tilespmem:s10+$0x7A00] =	vst v4;
	v2 =	vmul.f32 v60, v2  }
0x1a7: {  	[tilespmem:s10+$0x7B30] =	vst v3;
	v3 =	vmul.f32 v62, v61  }
0x1a8: {  	[tilespmem:s10+$0x7B80] =	vst v2;
	v1 =	vmul.f32 v63, v1  }
0x1a9: {  	[tilespmem:s10+$0x7B90] =	vst v3  }
0x1aa: {  	[tilespmem:s10+$0x7BA0] =	vst v1  }
0x1ab: {  	[spmem:s3] =	stream.indirect.scatter.add.f32 [tilespmem:s18], [sflag:$0x3], $0x80, s20, s21, $0xb8;
	[tilespmem:$0x1DA80] =	vst v63  }
0x1ac: {  	_ =	swait.ge [sflag:s19], $0x2800  }
0x1ad: {  	[sflag:s19] =	ssyncset.done $0x0  }
0x1ae: {  	[sflag:s19] =	ssyncadd.s32 $0xFFFFD800  }
0x1af: {  	[bflag:$0x0] =	sbarrier.arrive $0xFFFF  }
0x1b0: {  	s11 =	rddreg [dreg:$0xb]  }
0x1b1: {  	[tilespmem:s18], [sflag:$0x3] =	stream.linear.gather [spmem:s14], $0x2800, $0x38;
	[tilespmem:$0x1DA80] =	vst v63  }
0x1b2: {  	s0 =	smul.u32 $0x138800, s11  }
0x1b3: {  	s15 =	rddreg [dreg:$0x9]  }
0x1b4: {  	_ =	swait.ge [sflag:s19], $0x2800;
	s0 =	ssub.s32 s15, s0  }
0x1b5: {  	[sflag:s19] =	ssyncset.done $0x0;
	s0 =	sshrl.u32 s0, $0x3  }
0x1b6: {  	s16 =	rddreg [dreg:$0xc];
	[sflag:s19] =	ssyncadd.s32 $0xFFFFD800;
	s0 =	sadd.s32 s9, s0  }
0x1b7: {  	[hbm4b:s0+s4] =	stream.linear.scatter [tilespmem:s18], [sflag:$0x3], $0x2800, $0x38;
	[tilespmem:$0x1DA80] =	vst v63  }
0x1b8: {  	s17 =	rddreg [dreg:$0xa];
	_ =	swait.ge [sflag:s19], $0x2800  }
0x1b9: {  	s2 =	simm.s32 $0x6;
	s14 =	sshra.s32 s16, $0x2;
	s16 =	rddreg [dreg:$0x8]  }
0x1ba: {  	s11 =	smul.u32 $0x138800, s17;
	s0 =	sadd.s32 $0x28000, s15;
	s10 =	smov.u32 s16  }
.LBB2_14:
0x1bb: {  	s31 =	sadd.s32 $0x10, s31  }
0x1bc: {  	[sflag:s19] =	ssyncset.done $0x0;
	s10 =	sadd.s32 $0x28000, s10;
	p0 =	sne.s32 s2, $0x1  }
0x1bd: {  	s14 =	sadd.s32 s14, s10;
	s11 =	ssub.s32 s0, s11;
	[sflag:s19] =	ssyncadd.s32 $0xFFFFD800  }
0x1be: {  	[tilespmem:s18], [sflag:$0x3] =	stream.linear.gather [spmem:s14], $0x2800, $0x38;
	[tilespmem:$0x1DA80] =	vst v63  }
0x1bf: {  	s14 =	smulhi.u32 $0x10624DD3, s31;
	s11 =	sshrl.u32 s11, $0x3;
	_ =	swait.ge [sflag:s19], $0x2800  }
.Ltmp6:
0x1c0: {  	[sflag:s19] =	ssyncset.done $0x0;
	(pc) =	sbr.rel @p0 .LBB2_14-.Ltmp6, $4  }
0x1c1: {  	s11 =	sadd.s32 s9, s11;
	s15 =	sshrl.u32 s14, $0x3;
	[sflag:s19] =	ssyncadd.s32 $0xFFFFD800  }
0x1c2: {  	s2 =	sadd.s32 $0xFFFFFFFF, s2;
	s0 =	sadd.s32 $0x28000, s0;
	s14 =	smul.u32 $0xFFB1E000, s15  }
0x1c3: {  	[hbm4b:s11+s4] =	stream.linear.scatter [tilespmem:s18], [sflag:$0x3], $0x2800, $0x38;
	[tilespmem:$0x1DA80] =	vst v63  }
0x1c4: {  	s14 =	sshra.s32 s14, $0x2;
	s11 =	smul.u32 $0x138800, s15;
	_ =	swait.ge [sflag:s19], $0x2800  }
0x1c5: {  	[sflag:s19] =	ssyncset.done $0x0;
	s2 =	sadd.s32 $0x28000, s10  }
0x1c6: {  	s2 =	sadd.s32 s14, s2;
	[sflag:s19] =	ssyncadd.s32 $0xFFFFD800  }
0x1c7: {  	[tilespmem:s18], [sflag:$0x3] =	stream.linear.gather [spmem:s2], $0x2800, $0x38;
	[tilespmem:$0x1DA80] =	vst v63  }
0x1c8: {  	s0 =	ssub.s32 s0, s11;
	_ =	swait.ge [sflag:s19], $0x2800  }
0x1c9: {  	s0 =	sshrl.u32 s0, $0x3;
	[sflag:s19] =	ssyncset.done $0x0  }
0x1ca: {  	s0 =	sadd.s32 s9, s0;
	[sflag:s19] =	ssyncadd.s32 $0xFFFFD800  }
0x1cb: {  	[hbm4b:s0+s4] =	stream.linear.scatter [tilespmem:s18], [sflag:$0x3], $0x2800, $0x38;
	[tilespmem:$0x1DA80] =	vst v63  }
0x1cc: {  	_ =	swait.ge [sflag:s19], $0x2800  }
0x1cd: {  	s30 =	sadd.s32 $0x1, s30;
	s31 =	rddreg [dreg:$0x7]  }
0x1ce: {  	p0 =	sne.s32 s30, s31  }
.Ltmp7:
0x1cf: {  	_ = 	snop;
	(pc) =	sbr.rel @p0 .LBB2_1-.Ltmp7, $3  }
0x1d0: {  	_ =	sdelay $0x1  }
0x1d1: {  	[sflag:s19] =	ssyncset.done $0x0  }
0x1d2: {  	[sflag:s19] =	ssyncadd.s32 $0xFFFFD800  }
0x1d3: {  	_ =	sfence.sel $0x180000  }
0x1d4: {  	[bflag:$0x0] =	sbarrier.arrive $0xFFFF  }
0x1d5: {  	_ =	strace $0x90000047  }
0x1d6: {  	s0 =	stileid.u32;
	[bflag:$0x2] =	sbarrier.arrive $0xFFFF  }
0x1d7: {  	p0 =	sne.s32 s0, $0x0;
	s0 =	rddreg [dreg:$0x3]  }
0x1d8: {  	s0 =	sadd.s32 @!p0 $0x100000, s0  }
0x1d9: {  	[sflag:s0] =	ssyncadd.tile.s32 @!p0 $0x1;
	_ =	shalt  }
.Lfunc_end2:
_tile_overlayer_lowered:
.L_overlay_start_2:
0x1da: {  	(tag) =	ssettag $0x2  }
0x1db: {  	s0 =	rddreg [dreg:$0x0];
	s2 =	stileid.u32  }
0x1dc: {  	s1 =	rddreg [dreg:$0x1];
	p0 =	sne.s32 s2, $0x0  }
0x1dd: {  	s3 =	rddreg [dreg:$0x2];
	[bflag:$0x3] =	sbarrier.arrive $0xFFFF;
	s2 =	simm.s32 @!p0 $0x1C03  }
0x1de: {  	[timem:s3], [sflag:s2] =	dma.local @!p0 [hbm:s0], s1  }
0x1df: {  	s0 =	simm.s32 @!p0 $0x3  }
0x1e0: {  	_ =	swait.ge @!p0 [sflag:s0], s1  }
0x1e1: {  	s1 =	ssub.s32 @!p0 $0x0, s1;
	[sflag:s0] =	ssyncset.done @!p0 $0x0  }
0x1e2: {  	[sflag:s0] =	ssyncadd.s32 @!p0 s1  }
0x1e3: {  	[bflag:$0x3] =	sbarrier.arrive $0xFFFF  }
0x1e4: {  	_ =	shalt  }

</sc_bundles>
